<compile_context>
chip_gen: v7x
topology: tpu7x:2x2x1
jax: 0.10.2.dev20260603
libtpu: 0.0.44.dev20260713+nightly
codegen_flags: <defaults>
</compile_context>

<pallas_src>
import functools

import jax
import jax.numpy as jnp
from jax import lax
from jax.experimental import pallas as pl
from jax.experimental.pallas import tpu as pltpu
from jax.experimental.pallas import tpu_sc as plsc

N_MAP = 10000
N_AGT = 2048
E = 320000
D = 128

NC = 2
NS = 16
NW = NC * NS
EPW = E // NW
CHUNK = 80
NCH = EPW // CHUNK
NR = 4
NIB = 6
RPT = 624
TAIL_R = N_MAP - NS * RPT

_PREC = lax.Precision.HIGHEST


def _gn(x, g, b, eps=1e-5):
    m = jnp.mean(x, axis=-1, keepdims=True)
    v = jnp.mean((x - m) ** 2, axis=-1, keepdims=True)
    return (x - m) * lax.rsqrt(v + eps) * g + b


def _agent_body(af_ref, wa_ref, out_ref):
    out_ref[...] = jnp.dot(af_ref[...], wa_ref[...],
                           preferred_element_type=jnp.float32, precision=_PREC)


def _agent_mm(agent_feat, Wa):
    return pl.pallas_call(
        _agent_body,
        out_shape=jax.ShapeDtypeStruct((N_AGT, D), jnp.float32),
    )(agent_feat, Wa)


_sc_mesh = plsc.VectorSubcoreMesh(core_axis_name="c", subcore_axis_name="s")


@functools.partial(
    pl.kernel,
    out_type=jax.ShapeDtypeStruct((NC, N_MAP, D), jnp.float32),
    mesh=_sc_mesh,
    scratch_types=[
        pltpu.VMEM_SHARED((N_MAP, D), jnp.float32),
        pltpu.VMEM((NIB, CHUNK), jnp.int32),
        pltpu.VMEM((NIB, CHUNK), jnp.int32),
        pltpu.VMEM((NR, CHUNK, D), jnp.float32),
        pltpu.SemaphoreType.DMA,
        pltpu.SemaphoreType.DMA((NR,)),
        pltpu.SemaphoreType.DMA((NR,)),
    ],
)
def _sc_scatter(a_hbm, u_hbm, v_hbm, z_hbm, out_hbm,
                acc, u_b, v_b, rows, isem, gsem, ssem):
    c = lax.axis_index("c")
    s = lax.axis_index("s")
    wid = s * NC + c
    base = wid * EPW

    def fetch_idx(j, slot):
        pltpu.async_copy(u_hbm.at[pl.ds(base + j * CHUNK, CHUNK)],
                         u_b.at[slot], isem)
        pltpu.async_copy(v_hbm.at[pl.ds(base + j * CHUNK, CHUNK)],
                         v_b.at[slot], isem)

    def drain_idx(slot):
        pltpu.make_async_copy(u_hbm.at[pl.ds(0, CHUNK)], u_b.at[slot], isem).wait()
        pltpu.make_async_copy(v_hbm.at[pl.ds(0, CHUNK)], v_b.at[slot], isem).wait()

    def issue_gather(slot_i, h):
        pltpu.async_copy(a_hbm.at[u_b.at[slot_i]], rows.at[h], gsem.at[h])

    def drain_gather(h):
        pltpu.make_async_copy(a_hbm.at[u_b.at[0]], rows.at[h], gsem.at[h]).wait()

    def issue_scatter(slot_i, h):
        pltpu.async_copy(rows.at[h], acc.at[v_b.at[slot_i]], ssem.at[h], add=True)

    def drain_scatter(h):
        pltpu.make_async_copy(rows.at[h], acc.at[v_b.at[0]], ssem.at[h]).wait()

    for j in range(4):
        fetch_idx(j, j)
    for j in range(3):
        drain_idx(j)
        issue_gather(j, j)
    pltpu.sync_copy(z_hbm.at[pl.ds(s * RPT, RPT)], acc.at[pl.ds(s * RPT, RPT)])

    @pl.when(s == NS - 1)
    def _():
        pltpu.sync_copy(z_hbm.at[pl.ds(NS * RPT, TAIL_R)],
                        acc.at[pl.ds(NS * RPT, TAIL_R)])

    plsc.subcore_barrier()

    @pl.loop(0, NCH)
    def _chunk(jj):
        @pl.when(jj >= 1)
        def _():
            drain_scatter((jj - 1) % NR)

        @pl.when(jj + 3 < NCH)
        def _():
            drain_idx((jj + 3) % NIB)
            issue_gather((jj + 3) % NIB, (jj + 3) % NR)

        @pl.when(jj + 4 < NCH)
        def _():
            fetch_idx(jj + 4, (jj + 4) % NIB)

        drain_gather(jj % NR)
        issue_scatter(jj % NIB, jj % NR)

    drain_scatter((NCH - 1) % NR)

    plsc.subcore_barrier()

    pltpu.sync_copy(acc.at[pl.ds(s * RPT, RPT)],
                    out_hbm.at[c, pl.ds(s * RPT, RPT)])

    @pl.when(s == NS - 1)
    def _():
        pltpu.sync_copy(acc.at[pl.ds(NS * RPT, TAIL_R)],
                        out_hbm.at[c, pl.ds(NS * RPT, TAIL_R)])


def _map_body(f_ref, w1_ref, b1_ref, w2_ref, g2_ref, be2_ref, m_ref):
    h = jnp.maximum(jnp.dot(f_ref[...], w1_ref[...],
                            preferred_element_type=jnp.float32, precision=_PREC)
                    + b1_ref[...], 0.0)
    m_ref[...] = jnp.maximum(_gn(jnp.dot(h, w2_ref[...],
                                         preferred_element_type=jnp.float32,
                                         precision=_PREC),
                                 g2_ref[...], be2_ref[...]), 0.0)


_RB = 2000


def _map_fc(feats, W1, b1, W2, g2, be2):
    row_spec = lambda w: pl.BlockSpec((_RB, w), lambda i: (i, 0))
    full_spec = lambda shape: pl.BlockSpec(shape, lambda i: (0,) * len(shape))
    return pl.pallas_call(
        _map_body,
        grid=(N_MAP // _RB,),
        in_specs=[
            row_spec(8), full_spec((8, D)), full_spec((1, D)), full_spec((D, D)),
            full_spec((1, D)), full_spec((1, D)),
        ],
        out_specs=row_spec(D),
        out_shape=jax.ShapeDtypeStruct((N_MAP, D), jnp.float32),
    )(feats, W1, b1, W2, g2, be2)


def _final_body(m_ref, p0_ref, p1_ref, wf0_ref, wf1_ref, gf_ref, bf_ref,
                gb_ref, bb_ref, out_ref):
    t = jnp.maximum(_gn(p0_ref[...] + p1_ref[...], gb_ref[...], bb_ref[...]), 0.0)
    z = (jnp.dot(m_ref[...], wf0_ref[...],
                 preferred_element_type=jnp.float32, precision=_PREC)
         + jnp.dot(t, wf1_ref[...], preferred_element_type=jnp.float32, precision=_PREC))
    out_ref[...] = jnp.maximum(_gn(z, gf_ref[...], bf_ref[...]), 0.0)


def _final(m, p0, p1, Wf0, Wf1, gf, bf, gb, bb):
    row_spec = lambda w: pl.BlockSpec((_RB, w), lambda i: (i, 0))
    full_spec = lambda shape: pl.BlockSpec(shape, lambda i: (0,) * len(shape))
    return pl.pallas_call(
        _final_body,
        grid=(N_MAP // _RB,),
        in_specs=[
            row_spec(D), row_spec(D), row_spec(D),
            full_spec((D, D)), full_spec((D, D)),
            full_spec((1, D)), full_spec((1, D)), full_spec((1, D)), full_spec((1, D)),
        ],
        out_specs=row_spec(D),
        out_shape=jax.ShapeDtypeStruct((N_MAP, D), jnp.float32),
    )(m, p0, p1, Wf0, Wf1, gf, bf, gb, bb)


REP = 4


def kernel(feats, agent_feat, a2m_u, a2m_v, W1, b1, W2, g2, be2, Wa, Wf, gf, bf, gb, bb):
    A = _agent_mm(agent_feat, Wa)
    A_rep = jnp.tile(A, (REP, 1))
    u_rep = a2m_u + (N_AGT * (jnp.arange(E, dtype=jnp.int32) % REP))
    zeros = jnp.zeros((N_MAP, D), jnp.float32)
    partials = _sc_scatter(A_rep, u_rep, a2m_v, zeros)
    r = lambda x: x.reshape(1, D)
    m = _map_fc(feats, W1, r(b1), W2, r(g2), r(be2))
    return _final(m, partials[0], partials[1],
                  Wf[:D], Wf[D:], r(gf), r(bf), r(gb), r(bb))

# --- scband reference (transcript-rebuilt; emitter-appended) ---
"""Pipeline reference for scband-lane-input-32323923870242 (READ-ONLY COPY).

The authoritative reference and input builder live on the scoring server;
editing this copy changes nothing except your own understanding.
"""

import jax, jax.numpy as jnp
import numpy as np

N_MAP = 10000
N_AGT = 2048
E = 320000
D = 128

def _gn(x, g, b, eps=1e-5):
    # GroupNorm with 1 group over [N, C]: normalize per row over channels
    m = jnp.mean(x, axis=-1, keepdims=True)
    v = jnp.var(x, axis=-1, keepdims=True)
    return (x - m) * jax.lax.rsqrt(v + eps) * g + b

def setup_inputs(seed: int = 0):
    key = jax.random.key(seed)
    ks = jax.random.split(key, 8)
    feats = jax.random.normal(ks[0], (N_MAP, 8), dtype=jnp.float32)
    agent_feat = jax.random.normal(ks[1], (N_AGT, 80), dtype=jnp.float32)
    a2m_u = jax.random.randint(ks[2], (E,), 0, N_AGT, dtype=jnp.int32)
    a2m_v = jax.random.randint(ks[3], (E,), 0, N_MAP, dtype=jnp.int32)
    W1 = jax.random.normal(ks[4], (8, D), dtype=jnp.float32) * 0.05
    b1 = jnp.zeros((D,), dtype=jnp.float32)
    W2 = jax.random.normal(ks[5], (D, D), dtype=jnp.float32) * 0.05
    g2 = jnp.ones((D,), dtype=jnp.float32)
    be2 = jnp.zeros((D,), dtype=jnp.float32)
    Wa = jax.random.normal(ks[6], (80, D), dtype=jnp.float32) * 0.05
    Wf = jax.random.normal(ks[7], (2 * D, D), dtype=jnp.float32) * 0.05
    gf = jnp.ones((D,), dtype=jnp.float32)
    bf = jnp.zeros((D,), dtype=jnp.float32)
    gb = jnp.ones((D,), dtype=jnp.float32)
    bb = jnp.zeros((D,), dtype=jnp.float32)
    return {"feats": feats, "agent_feat": agent_feat, "a2m_u": a2m_u, "a2m_v": a2m_v,
            "W1": W1, "b1": b1, "W2": W2, "g2": g2, "be2": be2, "Wa": Wa,
            "Wf": Wf, "gf": gf, "bf": bf, "gb": gb, "bb": bb}

def reference(feats, agent_feat, a2m_u, a2m_v, W1, b1, W2, g2, be2, Wa, Wf, gf, bf, gb, bb):
    # map_fc: Linear(8,D)+bias -> ReLU -> Linear(D,D,no bias) -> GN(1,D) -> ReLU
    m = jnp.maximum(feats @ W1 + b1, 0.0)
    m = jnp.maximum(_gn(m @ W2, g2, be2), 0.0)
    # agt_fc on gathered agent features, scatter-add into map nodes (index_add intent)
    agt = jnp.take(agent_feat, a2m_u, axis=0) @ Wa
    tmp = jnp.zeros_like(m).at[a2m_v].add(agt)
    # bn = GroupNorm(1, D) + ReLU
    tmp = jnp.maximum(_gn(tmp, gb, bb), 0.0)
    # fc: Linear(2D, D, no bias) -> GN -> ReLU
    cat = jnp.concatenate([m, tmp], axis=-1)
    out = jnp.maximum(_gn(cat @ Wf, gf, bf), 0.0)
    return out

if __name__ == "__main__":
    import jax
    _d = setup_inputs()
    print(jax.jit(kernel)(*tuple(_d.values())))

</pallas_src>

<mosaic_0001>
#map = affine_map<(d0, d1) -> (0, 0)>
#map1 = affine_map<(d0, d1) -> (0)>
#map2 = affine_map<(d0, d1) -> (0, 0, 0)>
module attributes {stable_mosaic.version = 14 : i64} {
  func.func @_sc_scatter(%arg0: i32, %arg1: i32, %arg2: memref<8192x128xf32, #tpu.memory_space<hbm>>, %arg3: memref<320000xi32, #tpu.memory_space<hbm>>, %arg4: memref<320000xi32, #tpu.memory_space<hbm>>, %arg5: memref<10000x128xf32, #tpu.memory_space<hbm>>, %arg6: memref<2x10000x128xf32, #tpu.memory_space<hbm>>, %arg7: memref<10000x128xf32, #tpu.memory_space<vmem_shared>>, %arg8: memref<6x80xi32, #tpu.memory_space<vmem>>, %arg9: memref<6x80xi32, #tpu.memory_space<vmem>>, %arg10: memref<4x80x128xf32, #tpu.memory_space<vmem>>, %arg11: memref<!tpu.dma_semaphore, #tpu.memory_space<semaphore_mem>>, %arg12: memref<4x!tpu.dma_semaphore, #tpu.memory_space<semaphore_mem>>, %arg13: memref<4x!tpu.dma_semaphore, #tpu.memory_space<semaphore_mem>>) attributes {dimension_semantics = [#tpu.dimension_semantics<core_parallel>, #tpu.dimension_semantics<subcore_parallel>], iteration_bounds = array<i64: 2, 16>, scalar_prefetch = 0 : i64, scratch_operands = 7 : i64, tpu.core_type = #tpu.core_type<sc_vector_subcore>, window_params = [{transform_indices = #map}, {transform_indices = #map1}, {transform_indices = #map1}, {transform_indices = #map}, {transform_indices = #map2}]} {
    %mul3A = arith.constant 2 : i32
    %mul3A_0 = arith.muli %arg1, %mul3A : i32
    %add3A = arith.addi %mul3A_0, %arg0 : i32
    %mul3A_1 = arith.constant 10000 : i32
    %mul3A_2 = arith.muli %add3A, %mul3A_1 : i32
    %add3A_3 = arith.constant 0 : i32
    %add3A_4 = arith.addi %mul3A_2, %add3A_3 : i32
    %dma_start3A = arith.constant 0 : i32
    %dma_start3A_5 = arith.constant 0 : i32
    %dma_start3A_6 = tpu.memref_slice %arg8[%dma_start3A, %dma_start3A_5] : memref<6x80xi32, #tpu.memory_space<vmem>> -> memref<1x80xi32, #tpu.memory_space<vmem>>
    %dma_start3A_7 = tpu.memref_squeeze %dma_start3A_6 : memref<1x80xi32, #tpu.memory_space<vmem>> -> memref<80xi32, #tpu.memory_space<vmem>>
    %dma_start3A_8 = tpu.memref_slice %arg3[%add3A_4] : memref<320000xi32, #tpu.memory_space<hbm>> -> memref<80xi32, #tpu.memory_space<hbm>>
    %dma_start3A_9 = arith.constant 0 : i32
    %dma_start3A_10 = tpu.memref_slice %arg8[%dma_start3A, %dma_start3A_9] : memref<6x80xi32, #tpu.memory_space<vmem>> -> memref<1x80xi32, #tpu.memory_space<vmem>>
    %dma_start3A_11 = tpu.memref_squeeze %dma_start3A_10 : memref<1x80xi32, #tpu.memory_space<vmem>> -> memref<80xi32, #tpu.memory_space<vmem>>
    %dma_start3A_12 = tpu.memref_slice %arg3[%add3A_4] : memref<320000xi32, #tpu.memory_space<hbm>> -> memref<80xi32, #tpu.memory_space<hbm>>
    tpu.enqueue_dma source(%dma_start3A_12 : memref<80xi32, #tpu.memory_space<hbm>>) target(%dma_start3A_11 : memref<80xi32, #tpu.memory_space<vmem>>) target_semaphore(%arg11 : memref<!tpu.dma_semaphore, #tpu.memory_space<semaphore_mem>>)
    %add3A_13 = arith.constant 0 : i32
    %add3A_14 = arith.addi %mul3A_2, %add3A_13 : i32
    %dma_start3A_15 = arith.constant 0 : i32
    %dma_start3A_16 = arith.constant 0 : i32
    %dma_start3A_17 = tpu.memref_slice %arg9[%dma_start3A_15, %dma_start3A_16] : memref<6x80xi32, #tpu.memory_space<vmem>> -> memref<1x80xi32, #tpu.memory_space<vmem>>
    %dma_start3A_18 = tpu.memref_squeeze %dma_start3A_17 : memref<1x80xi32, #tpu.memory_space<vmem>> -> memref<80xi32, #tpu.memory_space<vmem>>
    %dma_start3A_19 = tpu.memref_slice %arg4[%add3A_14] : memref<320000xi32, #tpu.memory_space<hbm>> -> memref<80xi32, #tpu.memory_space<hbm>>
    %dma_start3A_20 = arith.constant 0 : i32
    %dma_start3A_21 = tpu.memref_slice %arg9[%dma_start3A_15, %dma_start3A_20] : memref<6x80xi32, #tpu.memory_space<vmem>> -> memref<1x80xi32, #tpu.memory_space<vmem>>
    %dma_start3A_22 = tpu.memref_squeeze %dma_start3A_21 : memref<1x80xi32, #tpu.memory_space<vmem>> -> memref<80xi32, #tpu.memory_space<vmem>>
    %dma_start3A_23 = tpu.memref_slice %arg4[%add3A_14] : memref<320000xi32, #tpu.memory_space<hbm>> -> memref<80xi32, #tpu.memory_space<hbm>>
    tpu.enqueue_dma source(%dma_start3A_23 : memref<80xi32, #tpu.memory_space<hbm>>) target(%dma_start3A_22 : memref<80xi32, #tpu.memory_space<vmem>>) target_semaphore(%arg11 : memref<!tpu.dma_semaphore, #tpu.memory_space<semaphore_mem>>)
    %add3A_24 = arith.constant 80 : i32
    %add3A_25 = arith.addi %mul3A_2, %add3A_24 : i32
    %dma_start3A_26 = arith.constant 1 : i32
    %dma_start3A_27 = arith.constant 0 : i32
    %dma_start3A_28 = tpu.memref_slice %arg8[%dma_start3A_26, %dma_start3A_27] : memref<6x80xi32, #tpu.memory_space<vmem>> -> memref<1x80xi32, #tpu.memory_space<vmem>>
    %dma_start3A_29 = tpu.memref_squeeze %dma_start3A_28 : memref<1x80xi32, #tpu.memory_space<vmem>> -> memref<80xi32, #tpu.memory_space<vmem>>
    %dma_start3A_30 = tpu.memref_slice %arg3[%add3A_25] : memref<320000xi32, #tpu.memory_space<hbm>> -> memref<80xi32, #tpu.memory_space<hbm>>
    %dma_start3A_31 = arith.constant 0 : i32
    %dma_start3A_32 = tpu.memref_slice %arg8[%dma_start3A_26, %dma_start3A_31] : memref<6x80xi32, #tpu.memory_space<vmem>> -> memref<1x80xi32, #tpu.memory_space<vmem>>
    %dma_start3A_33 = tpu.memref_squeeze %dma_start3A_32 : memref<1x80xi32, #tpu.memory_space<vmem>> -> memref<80xi32, #tpu.memory_space<vmem>>
    %dma_start3A_34 = tpu.memref_slice %arg3[%add3A_25] : memref<320000xi32, #tpu.memory_space<hbm>> -> memref<80xi32, #tpu.memory_space<hbm>>
    tpu.enqueue_dma source(%dma_start3A_34 : memref<80xi32, #tpu.memory_space<hbm>>) target(%dma_start3A_33 : memref<80xi32, #tpu.memory_space<vmem>>) target_semaphore(%arg11 : memref<!tpu.dma_semaphore, #tpu.memory_space<semaphore_mem>>)
    %add3A_35 = arith.constant 80 : i32
    %add3A_36 = arith.addi %mul3A_2, %add3A_35 : i32
    %dma_start3A_37 = arith.constant 1 : i32
    %dma_start3A_38 = arith.constant 0 : i32
    %dma_start3A_39 = tpu.memref_slice %arg9[%dma_start3A_37, %dma_start3A_38] : memref<6x80xi32, #tpu.memory_space<vmem>> -> memref<1x80xi32, #tpu.memory_space<vmem>>
    %dma_start3A_40 = tpu.memref_squeeze %dma_start3A_39 : memref<1x80xi32, #tpu.memory_space<vmem>> -> memref<80xi32, #tpu.memory_space<vmem>>
    %dma_start3A_41 = tpu.memref_slice %arg4[%add3A_36] : memref<320000xi32, #tpu.memory_space<hbm>> -> memref<80xi32, #tpu.memory_space<hbm>>
    %dma_start3A_42 = arith.constant 0 : i32
    %dma_start3A_43 = tpu.memref_slice %arg9[%dma_start3A_37, %dma_start3A_42] : memref<6x80xi32, #tpu.memory_space<vmem>> -> memref<1x80xi32, #tpu.memory_space<vmem>>
    %dma_start3A_44 = tpu.memref_squeeze %dma_start3A_43 : memref<1x80xi32, #tpu.memory_space<vmem>> -> memref<80xi32, #tpu.memory_space<vmem>>
    %dma_start3A_45 = tpu.memref_slice %arg4[%add3A_36] : memref<320000xi32, #tpu.memory_space<hbm>> -> memref<80xi32, #tpu.memory_space<hbm>>
    tpu.enqueue_dma source(%dma_start3A_45 : memref<80xi32, #tpu.memory_space<hbm>>) target(%dma_start3A_44 : memref<80xi32, #tpu.memory_space<vmem>>) target_semaphore(%arg11 : memref<!tpu.dma_semaphore, #tpu.memory_space<semaphore_mem>>)
    %add3A_46 = arith.constant 160 : i32
    %add3A_47 = arith.addi %mul3A_2, %add3A_46 : i32
    %dma_start3A_48 = arith.constant 2 : i32
    %dma_start3A_49 = arith.constant 0 : i32
    %dma_start3A_50 = tpu.memref_slice %arg8[%dma_start3A_48, %dma_start3A_49] : memref<6x80xi32, #tpu.memory_space<vmem>> -> memref<1x80xi32, #tpu.memory_space<vmem>>
    %dma_start3A_51 = tpu.memref_squeeze %dma_start3A_50 : memref<1x80xi32, #tpu.memory_space<vmem>> -> memref<80xi32, #tpu.memory_space<vmem>>
    %dma_start3A_52 = tpu.memref_slice %arg3[%add3A_47] : memref<320000xi32, #tpu.memory_space<hbm>> -> memref<80xi32, #tpu.memory_space<hbm>>
    %dma_start3A_53 = arith.constant 0 : i32
    %dma_start3A_54 = tpu.memref_slice %arg8[%dma_start3A_48, %dma_start3A_53] : memref<6x80xi32, #tpu.memory_space<vmem>> -> memref<1x80xi32, #tpu.memory_space<vmem>>
    %dma_start3A_55 = tpu.memref_squeeze %dma_start3A_54 : memref<1x80xi32, #tpu.memory_space<vmem>> -> memref<80xi32, #tpu.memory_space<vmem>>
    %dma_start3A_56 = tpu.memref_slice %arg3[%add3A_47] : memref<320000xi32, #tpu.memory_space<hbm>> -> memref<80xi32, #tpu.memory_space<hbm>>
    tpu.enqueue_dma source(%dma_start3A_56 : memref<80xi32, #tpu.memory_space<hbm>>) target(%dma_start3A_55 : memref<80xi32, #tpu.memory_space<vmem>>) target_semaphore(%arg11 : memref<!tpu.dma_semaphore, #tpu.memory_space<semaphore_mem>>)
    %add3A_57 = arith.constant 160 : i32
    %add3A_58 = arith.addi %mul3A_2, %add3A_57 : i32
    %dma_start3A_59 = arith.constant 2 : i32
    %dma_start3A_60 = arith.constant 0 : i32
    %dma_start3A_61 = tpu.memref_slice %arg9[%dma_start3A_59, %dma_start3A_60] : memref<6x80xi32, #tpu.memory_space<vmem>> -> memref<1x80xi32, #tpu.memory_space<vmem>>
    %dma_start3A_62 = tpu.memref_squeeze %dma_start3A_61 : memref<1x80xi32, #tpu.memory_space<vmem>> -> memref<80xi32, #tpu.memory_space<vmem>>
    %dma_start3A_63 = tpu.memref_slice %arg4[%add3A_58] : memref<320000xi32, #tpu.memory_space<hbm>> -> memref<80xi32, #tpu.memory_space<hbm>>
    %dma_start3A_64 = arith.constant 0 : i32
    %dma_start3A_65 = tpu.memref_slice %arg9[%dma_start3A_59, %dma_start3A_64] : memref<6x80xi32, #tpu.memory_space<vmem>> -> memref<1x80xi32, #tpu.memory_space<vmem>>
    %dma_start3A_66 = tpu.memref_squeeze %dma_start3A_65 : memref<1x80xi32, #tpu.memory_space<vmem>> -> memref<80xi32, #tpu.memory_space<vmem>>
    %dma_start3A_67 = tpu.memref_slice %arg4[%add3A_58] : memref<320000xi32, #tpu.memory_space<hbm>> -> memref<80xi32, #tpu.memory_space<hbm>>
    tpu.enqueue_dma source(%dma_start3A_67 : memref<80xi32, #tpu.memory_space<hbm>>) target(%dma_start3A_66 : memref<80xi32, #tpu.memory_space<vmem>>) target_semaphore(%arg11 : memref<!tpu.dma_semaphore, #tpu.memory_space<semaphore_mem>>)
    %add3A_68 = arith.constant 240 : i32
    %add3A_69 = arith.addi %mul3A_2, %add3A_68 : i32
    %dma_start3A_70 = arith.constant 3 : i32
    %dma_start3A_71 = arith.constant 0 : i32
    %dma_start3A_72 = tpu.memref_slice %arg8[%dma_start3A_70, %dma_start3A_71] : memref<6x80xi32, #tpu.memory_space<vmem>> -> memref<1x80xi32, #tpu.memory_space<vmem>>
    %dma_start3A_73 = tpu.memref_squeeze %dma_start3A_72 : memref<1x80xi32, #tpu.memory_space<vmem>> -> memref<80xi32, #tpu.memory_space<vmem>>
    %dma_start3A_74 = tpu.memref_slice %arg3[%add3A_69] : memref<320000xi32, #tpu.memory_space<hbm>> -> memref<80xi32, #tpu.memory_space<hbm>>
    %dma_start3A_75 = arith.constant 0 : i32
    %dma_start3A_76 = tpu.memref_slice %arg8[%dma_start3A_70, %dma_start3A_75] : memref<6x80xi32, #tpu.memory_space<vmem>> -> memref<1x80xi32, #tpu.memory_space<vmem>>
    %dma_start3A_77 = tpu.memref_squeeze %dma_start3A_76 : memref<1x80xi32, #tpu.memory_space<vmem>> -> memref<80xi32, #tpu.memory_space<vmem>>
    %dma_start3A_78 = tpu.memref_slice %arg3[%add3A_69] : memref<320000xi32, #tpu.memory_space<hbm>> -> memref<80xi32, #tpu.memory_space<hbm>>
    tpu.enqueue_dma source(%dma_start3A_78 : memref<80xi32, #tpu.memory_space<hbm>>) target(%dma_start3A_77 : memref<80xi32, #tpu.memory_space<vmem>>) target_semaphore(%arg11 : memref<!tpu.dma_semaphore, #tpu.memory_space<semaphore_mem>>)
    %add3A_79 = arith.constant 240 : i32
    %add3A_80 = arith.addi %mul3A_2, %add3A_79 : i32
    %dma_start3A_81 = arith.constant 3 : i32
    %dma_start3A_82 = arith.constant 0 : i32
    %dma_start3A_83 = tpu.memref_slice %arg9[%dma_start3A_81, %dma_start3A_82] : memref<6x80xi32, #tpu.memory_space<vmem>> -> memref<1x80xi32, #tpu.memory_space<vmem>>
    %dma_start3A_84 = tpu.memref_squeeze %dma_start3A_83 : memref<1x80xi32, #tpu.memory_space<vmem>> -> memref<80xi32, #tpu.memory_space<vmem>>
    %dma_start3A_85 = tpu.memref_slice %arg4[%add3A_80] : memref<320000xi32, #tpu.memory_space<hbm>> -> memref<80xi32, #tpu.memory_space<hbm>>
    %dma_start3A_86 = arith.constant 0 : i32
    %dma_start3A_87 = tpu.memref_slice %arg9[%dma_start3A_81, %dma_start3A_86] : memref<6x80xi32, #tpu.memory_space<vmem>> -> memref<1x80xi32, #tpu.memory_space<vmem>>
    %dma_start3A_88 = tpu.memref_squeeze %dma_start3A_87 : memref<1x80xi32, #tpu.memory_space<vmem>> -> memref<80xi32, #tpu.memory_space<vmem>>
    %dma_start3A_89 = tpu.memref_slice %arg4[%add3A_80] : memref<320000xi32, #tpu.memory_space<hbm>> -> memref<80xi32, #tpu.memory_space<hbm>>
    tpu.enqueue_dma source(%dma_start3A_89 : memref<80xi32, #tpu.memory_space<hbm>>) target(%dma_start3A_88 : memref<80xi32, #tpu.memory_space<vmem>>) target_semaphore(%arg11 : memref<!tpu.dma_semaphore, #tpu.memory_space<semaphore_mem>>)
    %dma_wait3A = arith.constant 0 : i32
    %dma_wait3A_90 = arith.constant 0 : i32
    %dma_wait3A_91 = tpu.memref_slice %arg8[%dma_wait3A, %dma_wait3A_90] : memref<6x80xi32, #tpu.memory_space<vmem>> -> memref<1x80xi32, #tpu.memory_space<vmem>>
    %dma_wait3A_92 = tpu.memref_squeeze %dma_wait3A_91 : memref<1x80xi32, #tpu.memory_space<vmem>> -> memref<80xi32, #tpu.memory_space<vmem>>
    %dma_wait3A_93 = arith.constant 0 : i32
    %dma_wait3A_94 = tpu.memref_slice %arg3[%dma_wait3A_93] : memref<320000xi32, #tpu.memory_space<hbm>> -> memref<80xi32, #tpu.memory_space<hbm>>
    %dma_wait3A_95 = arith.constant 0 : i32
    %dma_wait3A_96 = tpu.memref_slice %arg8[%dma_wait3A, %dma_wait3A_95] : memref<6x80xi32, #tpu.memory_space<vmem>> -> memref<1x80xi32, #tpu.memory_space<vmem>>
    %dma_wait3A_97 = tpu.memref_squeeze %dma_wait3A_96 : memref<1x80xi32, #tpu.memory_space<vmem>> -> memref<80xi32, #tpu.memory_space<vmem>>
    %dma_wait3A_98 = arith.constant 0 : i32
    %dma_wait3A_99 = tpu.memref_slice %arg3[%dma_wait3A_98] : memref<320000xi32, #tpu.memory_space<hbm>> -> memref<80xi32, #tpu.memory_space<hbm>>
    tpu.wait_dma2 semaphore(%arg11 : memref<!tpu.dma_semaphore, #tpu.memory_space<semaphore_mem>>) src(%dma_wait3A_99 : memref<80xi32, #tpu.memory_space<hbm>>) dst(%dma_wait3A_97 : memref<80xi32, #tpu.memory_space<vmem>>)
    %dma_wait3A_100 = arith.constant 0 : i32
    %dma_wait3A_101 = arith.constant 0 : i32
    %dma_wait3A_102 = tpu.memref_slice %arg9[%dma_wait3A_100, %dma_wait3A_101] : memref<6x80xi32, #tpu.memory_space<vmem>> -> memref<1x80xi32, #tpu.memory_space<vmem>>
    %dma_wait3A_103 = tpu.memref_squeeze %dma_wait3A_102 : memref<1x80xi32, #tpu.memory_space<vmem>> -> memref<80xi32, #tpu.memory_space<vmem>>
    %dma_wait3A_104 = arith.constant 0 : i32
    %dma_wait3A_105 = tpu.memref_slice %arg4[%dma_wait3A_104] : memref<320000xi32, #tpu.memory_space<hbm>> -> memref<80xi32, #tpu.memory_space<hbm>>
    %dma_wait3A_106 = arith.constant 0 : i32
    %dma_wait3A_107 = tpu.memref_slice %arg9[%dma_wait3A_100, %dma_wait3A_106] : memref<6x80xi32, #tpu.memory_space<vmem>> -> memref<1x80xi32, #tpu.memory_space<vmem>>
    %dma_wait3A_108 = tpu.memref_squeeze %dma_wait3A_107 : memref<1x80xi32, #tpu.memory_space<vmem>> -> memref<80xi32, #tpu.memory_space<vmem>>
    %dma_wait3A_109 = arith.constant 0 : i32
    %dma_wait3A_110 = tpu.memref_slice %arg4[%dma_wait3A_109] : memref<320000xi32, #tpu.memory_space<hbm>> -> memref<80xi32, #tpu.memory_space<hbm>>
    tpu.wait_dma2 semaphore(%arg11 : memref<!tpu.dma_semaphore, #tpu.memory_space<semaphore_mem>>) src(%dma_wait3A_110 : memref<80xi32, #tpu.memory_space<hbm>>) dst(%dma_wait3A_108 : memref<80xi32, #tpu.memory_space<vmem>>)
    %dma_start3A_111 = arith.constant 0 : i32
    %dma_start3A_112 = arith.constant 0 : i32
    %dma_start3A_113 = arith.constant 0 : i32
    %dma_start3A_114 = arith.constant 0 : i32
    %dma_start3A_115 = arith.constant 0 : i32
    %dma_start3A_116 = tpu.memref_slice %arg10[%dma_start3A_112, %dma_start3A_114, %dma_start3A_115] : memref<4x80x128xf32, #tpu.memory_space<vmem>> -> memref<1x80x128xf32, #tpu.memory_space<vmem>>
    %dma_start3A_117 = tpu.memref_squeeze %dma_start3A_116 : memref<1x80x128xf32, #tpu.memory_space<vmem>> -> memref<80x128xf32, #tpu.memory_space<vmem>>
    %dma_start3A_118 = arith.constant 0 : i32
    %dma_start3A_119 = tpu.memref_slice %arg8[%dma_start3A_111, %dma_start3A_118] : memref<6x80xi32, #tpu.memory_space<vmem>> -> memref<1x80xi32, #tpu.memory_space<vmem>>
    %dma_start3A_120 = tpu.memref_squeeze %dma_start3A_119 : memref<1x80xi32, #tpu.memory_space<vmem>> -> memref<80xi32, #tpu.memory_space<vmem>>
    %dma_start3A_121 = arith.constant 0 : i32
    %dma_start3A_122 = arith.constant 0 : i32
    %dma_start3A_123 = tpu.memref_slice %arg2[%dma_start3A_121, %dma_start3A_122] : memref<8192x128xf32, #tpu.memory_space<hbm>> -> memref<8192x128xf32, #tpu.memory_space<hbm>>
    %dma_start3A_124 = tpu.memref_slice %arg12[%dma_start3A_113] : memref<4x!tpu.dma_semaphore, #tpu.memory_space<semaphore_mem>> -> memref<1x!tpu.dma_semaphore, #tpu.memory_space<semaphore_mem>>
    %dma_start3A_125 = tpu.memref_squeeze %dma_start3A_124 : memref<1x!tpu.dma_semaphore, #tpu.memory_space<semaphore_mem>> -> memref<!tpu.dma_semaphore, #tpu.memory_space<semaphore_mem>>
    tpu.enqueue_indirect_dma source(%dma_start3A_123 : memref<8192x128xf32, #tpu.memory_space<hbm>>) target(%dma_start3A_117 : memref<80x128xf32, #tpu.memory_space<vmem>>) offsets(%dma_start3A_120 : memref<80xi32, #tpu.memory_space<vmem>>) semaphore(%dma_start3A_125 : memref<!tpu.dma_semaphore, #tpu.memory_space<semaphore_mem>>)
    %dma_wait3A_126 = arith.constant 1 : i32
    %dma_wait3A_127 = arith.constant 0 : i32
    %dma_wait3A_128 = tpu.memref_slice %arg8[%dma_wait3A_126, %dma_wait3A_127] : memref<6x80xi32, #tpu.memory_space<vmem>> -> memref<1x80xi32, #tpu.memory_space<vmem>>
    %dma_wait3A_129 = tpu.memref_squeeze %dma_wait3A_128 : memref<1x80xi32, #tpu.memory_space<vmem>> -> memref<80xi32, #tpu.memory_space<vmem>>
    %dma_wait3A_130 = arith.constant 0 : i32
    %dma_wait3A_131 = tpu.memref_slice %arg3[%dma_wait3A_130] : memref<320000xi32, #tpu.memory_space<hbm>> -> memref<80xi32, #tpu.memory_space<hbm>>
    %dma_wait3A_132 = arith.constant 0 : i32
    %dma_wait3A_133 = tpu.memref_slice %arg8[%dma_wait3A_126, %dma_wait3A_132] : memref<6x80xi32, #tpu.memory_space<vmem>> -> memref<1x80xi32, #tpu.memory_space<vmem>>
    %dma_wait3A_134 = tpu.memref_squeeze %dma_wait3A_133 : memref<1x80xi32, #tpu.memory_space<vmem>> -> memref<80xi32, #tpu.memory_space<vmem>>
    %dma_wait3A_135 = arith.constant 0 : i32
    %dma_wait3A_136 = tpu.memref_slice %arg3[%dma_wait3A_135] : memref<320000xi32, #tpu.memory_space<hbm>> -> memref<80xi32, #tpu.memory_space<hbm>>
    tpu.wait_dma2 semaphore(%arg11 : memref<!tpu.dma_semaphore, #tpu.memory_space<semaphore_mem>>) src(%dma_wait3A_136 : memref<80xi32, #tpu.memory_space<hbm>>) dst(%dma_wait3A_134 : memref<80xi32, #tpu.memory_space<vmem>>)
    %dma_wait3A_137 = arith.constant 1 : i32
    %dma_wait3A_138 = arith.constant 0 : i32
    %dma_wait3A_139 = tpu.memref_slice %arg9[%dma_wait3A_137, %dma_wait3A_138] : memref<6x80xi32, #tpu.memory_space<vmem>> -> memref<1x80xi32, #tpu.memory_space<vmem>>
    %dma_wait3A_140 = tpu.memref_squeeze %dma_wait3A_139 : memref<1x80xi32, #tpu.memory_space<vmem>> -> memref<80xi32, #tpu.memory_space<vmem>>
    %dma_wait3A_141 = arith.constant 0 : i32
    %dma_wait3A_142 = tpu.memref_slice %arg4[%dma_wait3A_141] : memref<320000xi32, #tpu.memory_space<hbm>> -> memref<80xi32, #tpu.memory_space<hbm>>
    %dma_wait3A_143 = arith.constant 0 : i32
    %dma_wait3A_144 = tpu.memref_slice %arg9[%dma_wait3A_137, %dma_wait3A_143] : memref<6x80xi32, #tpu.memory_space<vmem>> -> memref<1x80xi32, #tpu.memory_space<vmem>>
    %dma_wait3A_145 = tpu.memref_squeeze %dma_wait3A_144 : memref<1x80xi32, #tpu.memory_space<vmem>> -> memref<80xi32, #tpu.memory_space<vmem>>
    %dma_wait3A_146 = arith.constant 0 : i32
    %dma_wait3A_147 = tpu.memref_slice %arg4[%dma_wait3A_146] : memref<320000xi32, #tpu.memory_space<hbm>> -> memref<80xi32, #tpu.memory_space<hbm>>
    tpu.wait_dma2 semaphore(%arg11 : memref<!tpu.dma_semaphore, #tpu.memory_space<semaphore_mem>>) src(%dma_wait3A_147 : memref<80xi32, #tpu.memory_space<hbm>>) dst(%dma_wait3A_145 : memref<80xi32, #tpu.memory_space<vmem>>)
    %dma_start3A_148 = arith.constant 1 : i32
    %dma_start3A_149 = arith.constant 1 : i32
    %dma_start3A_150 = arith.constant 1 : i32
    %dma_start3A_151 = arith.constant 0 : i32
    %dma_start3A_152 = arith.constant 0 : i32
    %dma_start3A_153 = tpu.memref_slice %arg10[%dma_start3A_149, %dma_start3A_151, %dma_start3A_152] : memref<4x80x128xf32, #tpu.memory_space<vmem>> -> memref<1x80x128xf32, #tpu.memory_space<vmem>>
    %dma_start3A_154 = tpu.memref_squeeze %dma_start3A_153 : memref<1x80x128xf32, #tpu.memory_space<vmem>> -> memref<80x128xf32, #tpu.memory_space<vmem>>
    %dma_start3A_155 = arith.constant 0 : i32
    %dma_start3A_156 = tpu.memref_slice %arg8[%dma_start3A_148, %dma_start3A_155] : memref<6x80xi32, #tpu.memory_space<vmem>> -> memref<1x80xi32, #tpu.memory_space<vmem>>
    %dma_start3A_157 = tpu.memref_squeeze %dma_start3A_156 : memref<1x80xi32, #tpu.memory_space<vmem>> -> memref<80xi32, #tpu.memory_space<vmem>>
    %dma_start3A_158 = arith.constant 0 : i32
    %dma_start3A_159 = arith.constant 0 : i32
    %dma_start3A_160 = tpu.memref_slice %arg2[%dma_start3A_158, %dma_start3A_159] : memref<8192x128xf32, #tpu.memory_space<hbm>> -> memref<8192x128xf32, #tpu.memory_space<hbm>>
    %dma_start3A_161 = tpu.memref_slice %arg12[%dma_start3A_150] : memref<4x!tpu.dma_semaphore, #tpu.memory_space<semaphore_mem>> -> memref<1x!tpu.dma_semaphore, #tpu.memory_space<semaphore_mem>>
    %dma_start3A_162 = tpu.memref_squeeze %dma_start3A_161 : memref<1x!tpu.dma_semaphore, #tpu.memory_space<semaphore_mem>> -> memref<!tpu.dma_semaphore, #tpu.memory_space<semaphore_mem>>
    tpu.enqueue_indirect_dma source(%dma_start3A_160 : memref<8192x128xf32, #tpu.memory_space<hbm>>) target(%dma_start3A_154 : memref<80x128xf32, #tpu.memory_space<vmem>>) offsets(%dma_start3A_157 : memref<80xi32, #tpu.memory_space<vmem>>) semaphore(%dma_start3A_162 : memref<!tpu.dma_semaphore, #tpu.memory_space<semaphore_mem>>)
    %dma_wait3A_163 = arith.constant 2 : i32
    %dma_wait3A_164 = arith.constant 0 : i32
    %dma_wait3A_165 = tpu.memref_slice %arg8[%dma_wait3A_163, %dma_wait3A_164] : memref<6x80xi32, #tpu.memory_space<vmem>> -> memref<1x80xi32, #tpu.memory_space<vmem>>
    %dma_wait3A_166 = tpu.memref_squeeze %dma_wait3A_165 : memref<1x80xi32, #tpu.memory_space<vmem>> -> memref<80xi32, #tpu.memory_space<vmem>>
    %dma_wait3A_167 = arith.constant 0 : i32
    %dma_wait3A_168 = tpu.memref_slice %arg3[%dma_wait3A_167] : memref<320000xi32, #tpu.memory_space<hbm>> -> memref<80xi32, #tpu.memory_space<hbm>>
    %dma_wait3A_169 = arith.constant 0 : i32
    %dma_wait3A_170 = tpu.memref_slice %arg8[%dma_wait3A_163, %dma_wait3A_169] : memref<6x80xi32, #tpu.memory_space<vmem>> -> memref<1x80xi32, #tpu.memory_space<vmem>>
    %dma_wait3A_171 = tpu.memref_squeeze %dma_wait3A_170 : memref<1x80xi32, #tpu.memory_space<vmem>> -> memref<80xi32, #tpu.memory_space<vmem>>
    %dma_wait3A_172 = arith.constant 0 : i32
    %dma_wait3A_173 = tpu.memref_slice %arg3[%dma_wait3A_172] : memref<320000xi32, #tpu.memory_space<hbm>> -> memref<80xi32, #tpu.memory_space<hbm>>
    tpu.wait_dma2 semaphore(%arg11 : memref<!tpu.dma_semaphore, #tpu.memory_space<semaphore_mem>>) src(%dma_wait3A_173 : memref<80xi32, #tpu.memory_space<hbm>>) dst(%dma_wait3A_171 : memref<80xi32, #tpu.memory_space<vmem>>)
    %dma_wait3A_174 = arith.constant 2 : i32
    %dma_wait3A_175 = arith.constant 0 : i32
    %dma_wait3A_176 = tpu.memref_slice %arg9[%dma_wait3A_174, %dma_wait3A_175] : memref<6x80xi32, #tpu.memory_space<vmem>> -> memref<1x80xi32, #tpu.memory_space<vmem>>
    %dma_wait3A_177 = tpu.memref_squeeze %dma_wait3A_176 : memref<1x80xi32, #tpu.memory_space<vmem>> -> memref<80xi32, #tpu.memory_space<vmem>>
    %dma_wait3A_178 = arith.constant 0 : i32
    %dma_wait3A_179 = tpu.memref_slice %arg4[%dma_wait3A_178] : memref<320000xi32, #tpu.memory_space<hbm>> -> memref<80xi32, #tpu.memory_space<hbm>>
    %dma_wait3A_180 = arith.constant 0 : i32
    %dma_wait3A_181 = tpu.memref_slice %arg9[%dma_wait3A_174, %dma_wait3A_180] : memref<6x80xi32, #tpu.memory_space<vmem>> -> memref<1x80xi32, #tpu.memory_space<vmem>>
    %dma_wait3A_182 = tpu.memref_squeeze %dma_wait3A_181 : memref<1x80xi32, #tpu.memory_space<vmem>> -> memref<80xi32, #tpu.memory_space<vmem>>
    %dma_wait3A_183 = arith.constant 0 : i32
    %dma_wait3A_184 = tpu.memref_slice %arg4[%dma_wait3A_183] : memref<320000xi32, #tpu.memory_space<hbm>> -> memref<80xi32, #tpu.memory_space<hbm>>
    tpu.wait_dma2 semaphore(%arg11 : memref<!tpu.dma_semaphore, #tpu.memory_space<semaphore_mem>>) src(%dma_wait3A_184 : memref<80xi32, #tpu.memory_space<hbm>>) dst(%dma_wait3A_182 : memref<80xi32, #tpu.memory_space<vmem>>)
    %dma_start3A_185 = arith.constant 2 : i32
    %dma_start3A_186 = arith.constant 2 : i32
    %dma_start3A_187 = arith.constant 2 : i32
    %dma_start3A_188 = arith.constant 0 : i32
    %dma_start3A_189 = arith.constant 0 : i32
    %dma_start3A_190 = tpu.memref_slice %arg10[%dma_start3A_186, %dma_start3A_188, %dma_start3A_189] : memref<4x80x128xf32, #tpu.memory_space<vmem>> -> memref<1x80x128xf32, #tpu.memory_space<vmem>>
    %dma_start3A_191 = tpu.memref_squeeze %dma_start3A_190 : memref<1x80x128xf32, #tpu.memory_space<vmem>> -> memref<80x128xf32, #tpu.memory_space<vmem>>
    %dma_start3A_192 = arith.constant 0 : i32
    %dma_start3A_193 = tpu.memref_slice %arg8[%dma_start3A_185, %dma_start3A_192] : memref<6x80xi32, #tpu.memory_space<vmem>> -> memref<1x80xi32, #tpu.memory_space<vmem>>
    %dma_start3A_194 = tpu.memref_squeeze %dma_start3A_193 : memref<1x80xi32, #tpu.memory_space<vmem>> -> memref<80xi32, #tpu.memory_space<vmem>>
    %dma_start3A_195 = arith.constant 0 : i32
    %dma_start3A_196 = arith.constant 0 : i32
    %dma_start3A_197 = tpu.memref_slice %arg2[%dma_start3A_195, %dma_start3A_196] : memref<8192x128xf32, #tpu.memory_space<hbm>> -> memref<8192x128xf32, #tpu.memory_space<hbm>>
    %dma_start3A_198 = tpu.memref_slice %arg12[%dma_start3A_187] : memref<4x!tpu.dma_semaphore, #tpu.memory_space<semaphore_mem>> -> memref<1x!tpu.dma_semaphore, #tpu.memory_space<semaphore_mem>>
    %dma_start3A_199 = tpu.memref_squeeze %dma_start3A_198 : memref<1x!tpu.dma_semaphore, #tpu.memory_space<semaphore_mem>> -> memref<!tpu.dma_semaphore, #tpu.memory_space<semaphore_mem>>
    tpu.enqueue_indirect_dma source(%dma_start3A_197 : memref<8192x128xf32, #tpu.memory_space<hbm>>) target(%dma_start3A_191 : memref<80x128xf32, #tpu.memory_space<vmem>>) offsets(%dma_start3A_194 : memref<80xi32, #tpu.memory_space<vmem>>) semaphore(%dma_start3A_199 : memref<!tpu.dma_semaphore, #tpu.memory_space<semaphore_mem>>)
    %mul3A_200 = arith.constant 624 : i32
    %mul3A_201 = arith.muli %arg1, %mul3A_200 : i32
    %mul3A_202 = arith.constant 624 : i32
    %mul3A_203 = arith.muli %arg1, %mul3A_202 : i32
    "tpu.region"() ({
      %run_scoped3A = tpu.sem_alloc : memref<!tpu.dma_semaphore, #tpu.memory_space<semaphore_mem>>
      %dma_start3A_235 = arith.constant 0 : i32
      %dma_start3A_236 = tpu.memref_slice %arg7[%mul3A_203, %dma_start3A_235] : memref<10000x128xf32, #tpu.memory_space<vmem_shared>> -> memref<624x128xf32, #tpu.memory_space<vmem_shared>>
      %dma_start3A_237 = arith.constant 0 : i32
      %dma_start3A_238 = tpu.memref_slice %arg5[%mul3A_201, %dma_start3A_237] : memref<10000x128xf32, #tpu.memory_space<hbm>> -> memref<624x128xf32, #tpu.memory_space<hbm>>
      tpu.enqueue_dma source(%dma_start3A_238 : memref<624x128xf32, #tpu.memory_space<hbm>>) target(%dma_start3A_236 : memref<624x128xf32, #tpu.memory_space<vmem_shared>>) target_semaphore(%run_scoped3A : memref<!tpu.dma_semaphore, #tpu.memory_space<semaphore_mem>>)
      %dma_wait3A_239 = arith.constant 0 : i32
      %dma_wait3A_240 = tpu.memref_slice %arg7[%mul3A_203, %dma_wait3A_239] : memref<10000x128xf32, #tpu.memory_space<vmem_shared>> -> memref<624x128xf32, #tpu.memory_space<vmem_shared>>
      %dma_wait3A_241 = arith.constant 0 : i32
      %dma_wait3A_242 = tpu.memref_slice %arg5[%mul3A_201, %dma_wait3A_241] : memref<10000x128xf32, #tpu.memory_space<hbm>> -> memref<624x128xf32, #tpu.memory_space<hbm>>
      tpu.wait_dma2 semaphore(%run_scoped3A : memref<!tpu.dma_semaphore, #tpu.memory_space<semaphore_mem>>) src(%dma_wait3A_242 : memref<624x128xf32, #tpu.memory_space<hbm>>) dst(%dma_wait3A_240 : memref<624x128xf32, #tpu.memory_space<vmem_shared>>)
      tpu.yield
    }) : () -> ()
    %eq3A = arith.constant 15 : i32
    %eq3A_204 = arith.cmpi eq, %arg1, %eq3A : i32
    %convert_element_type3A = arith.extui %eq3A_204 : i1 to i32
    %cond3A = arith.constant 0 : i32
    %cond3A_205 = arith.cmpi ne, %convert_element_type3A, %cond3A : i32
    scf.if %cond3A_205 {
      "tpu.region"() ({
        %run_scoped3A = tpu.sem_alloc : memref<!tpu.dma_semaphore, #tpu.memory_space<semaphore_mem>>
        %dma_start3A_235 = arith.constant 9984 : i32
        %dma_start3A_236 = arith.constant 0 : i32
        %dma_start3A_237 = tpu.memref_slice %arg7[%dma_start3A_235, %dma_start3A_236] : memref<10000x128xf32, #tpu.memory_space<vmem_shared>> -> memref<16x128xf32, #tpu.memory_space<vmem_shared>>
        %dma_start3A_238 = arith.constant 9984 : i32
        %dma_start3A_239 = arith.constant 0 : i32
        %dma_start3A_240 = tpu.memref_slice %arg5[%dma_start3A_238, %dma_start3A_239] : memref<10000x128xf32, #tpu.memory_space<hbm>> -> memref<16x128xf32, #tpu.memory_space<hbm>>
        tpu.enqueue_dma source(%dma_start3A_240 : memref<16x128xf32, #tpu.memory_space<hbm>>) target(%dma_start3A_237 : memref<16x128xf32, #tpu.memory_space<vmem_shared>>) target_semaphore(%run_scoped3A : memref<!tpu.dma_semaphore, #tpu.memory_space<semaphore_mem>>)
        %dma_wait3A_241 = arith.constant 9984 : i32
        %dma_wait3A_242 = arith.constant 0 : i32
        %dma_wait3A_243 = tpu.memref_slice %arg7[%dma_wait3A_241, %dma_wait3A_242] : memref<10000x128xf32, #tpu.memory_space<vmem_shared>> -> memref<16x128xf32, #tpu.memory_space<vmem_shared>>
        %dma_wait3A_244 = arith.constant 9984 : i32
        %dma_wait3A_245 = arith.constant 0 : i32
        %dma_wait3A_246 = tpu.memref_slice %arg5[%dma_wait3A_244, %dma_wait3A_245] : memref<10000x128xf32, #tpu.memory_space<hbm>> -> memref<16x128xf32, #tpu.memory_space<hbm>>
        tpu.wait_dma2 semaphore(%run_scoped3A : memref<!tpu.dma_semaphore, #tpu.memory_space<semaphore_mem>>) src(%dma_wait3A_246 : memref<16x128xf32, #tpu.memory_space<hbm>>) dst(%dma_wait3A_243 : memref<16x128xf32, #tpu.memory_space<vmem_shared>>)
        tpu.yield
      }) : () -> ()
    } else {
    }
    %barrier3A = arith.constant 0 : index
    tpu.barrier barrier_id(%barrier3A)
    %scan3A = arith.constant 0 : i32
    %scan3A_206 = arith.constant 125 : i32
    %scan3A_207 = arith.addi %scan3A, %scan3A_206 : i32
    %scan3A_208 = arith.constant 1 : i32
    scf.for %scan3A_235 = %scan3A to %scan3A_207 step %scan3A_208  : i32 {
      %mul3A_236 = arith.constant 1 : i32
      %mul3A_237 = arith.muli %scan3A_235, %mul3A_236 : i32
      %add3A_238 = arith.constant 0 : i32
      %add3A_239 = arith.addi %add3A_238, %mul3A_237 : i32
      %ge3A = arith.constant 1 : i32
      %ge3A_240 = arith.cmpi sge, %add3A_239, %ge3A : i32
      %convert_element_type3A_241 = arith.extui %ge3A_240 : i1 to i32
      %cond3A_242 = arith.constant 0 : i32
      %cond3A_243 = arith.cmpi ne, %convert_element_type3A_241, %cond3A_242 : i32
      scf.if %cond3A_243 {
        %sub3A = arith.constant 1 : i32
        %sub3A_325 = arith.subi %add3A_239, %sub3A : i32
        %jit3A_326 = arith.constant 4 : i32
        %eq3A_327 = arith.constant 0 : i32
        %eq3A_328 = arith.cmpi eq, %jit3A_326, %eq3A_327 : i32
        %jit3A_329 = arith.constant 1 : i32
        %select_n3A_330 = arith.select %eq3A_328, %jit3A_329, %jit3A_326 : i32
        %rem3A_331 = arith.remsi %sub3A_325, %select_n3A_330 : i32
        %ne3A_332 = arith.constant 0 : i32
        %ne3A_333 = arith.cmpi ne, %rem3A_331, %ne3A_332 : i32
        %lt3A_334 = arith.constant 0 : i32
        %lt3A_335 = arith.cmpi slt, %rem3A_331, %lt3A_334 : i32
        %lt3A_336 = arith.constant 0 : i32
        %lt3A_337 = arith.cmpi slt, %select_n3A_330, %lt3A_336 : i32
        %ne3A_338 = arith.xori %lt3A_335, %lt3A_337 : i1
        %and3A_339 = arith.andi %ne3A_338, %ne3A_333 : i1
        %add3A_340 = arith.addi %rem3A_331, %select_n3A_330 : i32
        %select_n3A_341 = arith.select %and3A_339, %add3A_340, %rem3A_331 : i32
        %dma_wait3A_342 = arith.constant 0 : i32
        %dma_wait3A_343 = arith.constant 0 : i32
        %dma_wait3A_344 = arith.constant 0 : i32
        %dma_wait3A_345 = tpu.memref_slice %arg10[%select_n3A_341, %dma_wait3A_343, %dma_wait3A_344] : memref<4x80x128xf32, #tpu.memory_space<vmem>> -> memref<1x80x128xf32, #tpu.memory_space<vmem>>
        %dma_wait3A_346 = tpu.memref_squeeze %dma_wait3A_345 : memref<1x80x128xf32, #tpu.memory_space<vmem>> -> memref<80x128xf32, #tpu.memory_space<vmem>>
        %dma_wait3A_347 = arith.constant 0 : i32
        %dma_wait3A_348 = tpu.memref_slice %arg9[%dma_wait3A_342, %dma_wait3A_347] : memref<6x80xi32, #tpu.memory_space<vmem>> -> memref<1x80xi32, #tpu.memory_space<vmem>>
        %dma_wait3A_349 = tpu.memref_squeeze %dma_wait3A_348 : memref<1x80xi32, #tpu.memory_space<vmem>> -> memref<80xi32, #tpu.memory_space<vmem>>
        %dma_wait3A_350 = arith.constant 0 : i32
        %dma_wait3A_351 = arith.constant 0 : i32
        %dma_wait3A_352 = tpu.memref_slice %arg7[%dma_wait3A_350, %dma_wait3A_351] : memref<10000x128xf32, #tpu.memory_space<vmem_shared>> -> memref<10000x128xf32, #tpu.memory_space<vmem_shared>>
        %dma_wait3A_353 = tpu.memref_slice %arg13[%select_n3A_341] : memref<4x!tpu.dma_semaphore, #tpu.memory_space<semaphore_mem>> -> memref<1x!tpu.dma_semaphore, #tpu.memory_space<semaphore_mem>>
        %dma_wait3A_354 = tpu.memref_squeeze %dma_wait3A_353 : memref<1x!tpu.dma_semaphore, #tpu.memory_space<semaphore_mem>> -> memref<!tpu.dma_semaphore, #tpu.memory_space<semaphore_mem>>
        tpu.wait_indirect_dma semaphore(%dma_wait3A_354 : memref<!tpu.dma_semaphore, #tpu.memory_space<semaphore_mem>>) src(%dma_wait3A_346 : memref<80x128xf32, #tpu.memory_space<vmem>>) dst(%dma_wait3A_352 : memref<10000x128xf32, #tpu.memory_space<vmem_shared>>)
      } else {
      }
      %add3A_244 = arith.constant 3 : i32
      %add3A_245 = arith.addi %add3A_239, %add3A_244 : i32
      %lt3A = arith.constant 125 : i32
      %lt3A_246 = arith.cmpi slt, %add3A_245, %lt3A : i32
      %convert_element_type3A_247 = arith.extui %lt3A_246 : i1 to i32
      %cond3A_248 = arith.constant 0 : i32
      %cond3A_249 = arith.cmpi ne, %convert_element_type3A_247, %cond3A_248 : i32
      scf.if %cond3A_249 {
        %add3A_325 = arith.constant 3 : i32
        %add3A_326 = arith.addi %add3A_239, %add3A_325 : i32
        %jit3A_327 = arith.constant 6 : i32
        %eq3A_328 = arith.constant 0 : i32
        %eq3A_329 = arith.cmpi eq, %jit3A_327, %eq3A_328 : i32
        %jit3A_330 = arith.constant 1 : i32
        %select_n3A_331 = arith.select %eq3A_329, %jit3A_330, %jit3A_327 : i32
        %rem3A_332 = arith.remsi %add3A_326, %select_n3A_331 : i32
        %ne3A_333 = arith.constant 0 : i32
        %ne3A_334 = arith.cmpi ne, %rem3A_332, %ne3A_333 : i32
        %lt3A_335 = arith.constant 0 : i32
        %lt3A_336 = arith.cmpi slt, %rem3A_332, %lt3A_335 : i32
        %lt3A_337 = arith.constant 0 : i32
        %lt3A_338 = arith.cmpi slt, %select_n3A_331, %lt3A_337 : i32
        %ne3A_339 = arith.xori %lt3A_336, %lt3A_338 : i1
        %and3A_340 = arith.andi %ne3A_339, %ne3A_334 : i1
        %add3A_341 = arith.addi %rem3A_332, %select_n3A_331 : i32
        %select_n3A_342 = arith.select %and3A_340, %add3A_341, %rem3A_332 : i32
        %dma_wait3A_343 = arith.constant 0 : i32
        %dma_wait3A_344 = tpu.memref_slice %arg8[%select_n3A_342, %dma_wait3A_343] : memref<6x80xi32, #tpu.memory_space<vmem>> -> memref<1x80xi32, #tpu.memory_space<vmem>>
        %dma_wait3A_345 = tpu.memref_squeeze %dma_wait3A_344 : memref<1x80xi32, #tpu.memory_space<vmem>> -> memref<80xi32, #tpu.memory_space<vmem>>
        %dma_wait3A_346 = arith.constant 0 : i32
        %dma_wait3A_347 = tpu.memref_slice %arg3[%dma_wait3A_346] : memref<320000xi32, #tpu.memory_space<hbm>> -> memref<80xi32, #tpu.memory_space<hbm>>
        %dma_wait3A_348 = arith.constant 0 : i32
        %dma_wait3A_349 = tpu.memref_slice %arg8[%select_n3A_342, %dma_wait3A_348] : memref<6x80xi32, #tpu.memory_space<vmem>> -> memref<1x80xi32, #tpu.memory_space<vmem>>
        %dma_wait3A_350 = tpu.memref_squeeze %dma_wait3A_349 : memref<1x80xi32, #tpu.memory_space<vmem>> -> memref<80xi32, #tpu.memory_space<vmem>>
        %dma_wait3A_351 = arith.constant 0 : i32
        %dma_wait3A_352 = tpu.memref_slice %arg3[%dma_wait3A_351] : memref<320000xi32, #tpu.memory_space<hbm>> -> memref<80xi32, #tpu.memory_space<hbm>>
        tpu.wait_dma2 semaphore(%arg11 : memref<!tpu.dma_semaphore, #tpu.memory_space<semaphore_mem>>) src(%dma_wait3A_352 : memref<80xi32, #tpu.memory_space<hbm>>) dst(%dma_wait3A_350 : memref<80xi32, #tpu.memory_space<vmem>>)
        %dma_wait3A_353 = arith.constant 0 : i32
        %dma_wait3A_354 = tpu.memref_slice %arg9[%select_n3A_342, %dma_wait3A_353] : memref<6x80xi32, #tpu.memory_space<vmem>> -> memref<1x80xi32, #tpu.memory_space<vmem>>
        %dma_wait3A_355 = tpu.memref_squeeze %dma_wait3A_354 : memref<1x80xi32, #tpu.memory_space<vmem>> -> memref<80xi32, #tpu.memory_space<vmem>>
        %dma_wait3A_356 = arith.constant 0 : i32
        %dma_wait3A_357 = tpu.memref_slice %arg4[%dma_wait3A_356] : memref<320000xi32, #tpu.memory_space<hbm>> -> memref<80xi32, #tpu.memory_space<hbm>>
        %dma_wait3A_358 = arith.constant 0 : i32
        %dma_wait3A_359 = tpu.memref_slice %arg9[%select_n3A_342, %dma_wait3A_358] : memref<6x80xi32, #tpu.memory_space<vmem>> -> memref<1x80xi32, #tpu.memory_space<vmem>>
        %dma_wait3A_360 = tpu.memref_squeeze %dma_wait3A_359 : memref<1x80xi32, #tpu.memory_space<vmem>> -> memref<80xi32, #tpu.memory_space<vmem>>
        %dma_wait3A_361 = arith.constant 0 : i32
        %dma_wait3A_362 = tpu.memref_slice %arg4[%dma_wait3A_361] : memref<320000xi32, #tpu.memory_space<hbm>> -> memref<80xi32, #tpu.memory_space<hbm>>
        tpu.wait_dma2 semaphore(%arg11 : memref<!tpu.dma_semaphore, #tpu.memory_space<semaphore_mem>>) src(%dma_wait3A_362 : memref<80xi32, #tpu.memory_space<hbm>>) dst(%dma_wait3A_360 : memref<80xi32, #tpu.memory_space<vmem>>)
        %add3A_363 = arith.constant 3 : i32
        %add3A_364 = arith.addi %add3A_239, %add3A_363 : i32
        %jit3A_365 = arith.constant 6 : i32
        %eq3A_366 = arith.constant 0 : i32
        %eq3A_367 = arith.cmpi eq, %jit3A_365, %eq3A_366 : i32
        %jit3A_368 = arith.constant 1 : i32
        %select_n3A_369 = arith.select %eq3A_367, %jit3A_368, %jit3A_365 : i32
        %rem3A_370 = arith.remsi %add3A_364, %select_n3A_369 : i32
        %ne3A_371 = arith.constant 0 : i32
        %ne3A_372 = arith.cmpi ne, %rem3A_370, %ne3A_371 : i32
        %lt3A_373 = arith.constant 0 : i32
        %lt3A_374 = arith.cmpi slt, %rem3A_370, %lt3A_373 : i32
        %lt3A_375 = arith.constant 0 : i32
        %lt3A_376 = arith.cmpi slt, %select_n3A_369, %lt3A_375 : i32
        %ne3A_377 = arith.xori %lt3A_374, %lt3A_376 : i1
        %and3A_378 = arith.andi %ne3A_377, %ne3A_372 : i1
        %add3A_379 = arith.addi %rem3A_370, %select_n3A_369 : i32
        %select_n3A_380 = arith.select %and3A_378, %add3A_379, %rem3A_370 : i32
        %add3A_381 = arith.constant 3 : i32
        %add3A_382 = arith.addi %add3A_239, %add3A_381 : i32
        %jit3A_383 = arith.constant 4 : i32
        %eq3A_384 = arith.constant 0 : i32
        %eq3A_385 = arith.cmpi eq, %jit3A_383, %eq3A_384 : i32
        %jit3A_386 = arith.constant 1 : i32
        %select_n3A_387 = arith.select %eq3A_385, %jit3A_386, %jit3A_383 : i32
        %rem3A_388 = arith.remsi %add3A_382, %select_n3A_387 : i32
        %ne3A_389 = arith.constant 0 : i32
        %ne3A_390 = arith.cmpi ne, %rem3A_388, %ne3A_389 : i32
        %lt3A_391 = arith.constant 0 : i32
        %lt3A_392 = arith.cmpi slt, %rem3A_388, %lt3A_391 : i32
        %lt3A_393 = arith.constant 0 : i32
        %lt3A_394 = arith.cmpi slt, %select_n3A_387, %lt3A_393 : i32
        %ne3A_395 = arith.xori %lt3A_392, %lt3A_394 : i1
        %and3A_396 = arith.andi %ne3A_395, %ne3A_390 : i1
        %add3A_397 = arith.addi %rem3A_388, %select_n3A_387 : i32
        %select_n3A_398 = arith.select %and3A_396, %add3A_397, %rem3A_388 : i32
        %dma_start3A_399 = arith.constant 0 : i32
        %dma_start3A_400 = arith.constant 0 : i32
        %dma_start3A_401 = tpu.memref_slice %arg10[%select_n3A_398, %dma_start3A_399, %dma_start3A_400] : memref<4x80x128xf32, #tpu.memory_space<vmem>> -> memref<1x80x128xf32, #tpu.memory_space<vmem>>
        %dma_start3A_402 = tpu.memref_squeeze %dma_start3A_401 : memref<1x80x128xf32, #tpu.memory_space<vmem>> -> memref<80x128xf32, #tpu.memory_space<vmem>>
        %dma_start3A_403 = arith.constant 0 : i32
        %dma_start3A_404 = tpu.memref_slice %arg8[%select_n3A_380, %dma_start3A_403] : memref<6x80xi32, #tpu.memory_space<vmem>> -> memref<1x80xi32, #tpu.memory_space<vmem>>
        %dma_start3A_405 = tpu.memref_squeeze %dma_start3A_404 : memref<1x80xi32, #tpu.memory_space<vmem>> -> memref<80xi32, #tpu.memory_space<vmem>>
        %dma_start3A_406 = arith.constant 0 : i32
        %dma_start3A_407 = arith.constant 0 : i32
        %dma_start3A_408 = tpu.memref_slice %arg2[%dma_start3A_406, %dma_start3A_407] : memref<8192x128xf32, #tpu.memory_space<hbm>> -> memref<8192x128xf32, #tpu.memory_space<hbm>>
        %dma_start3A_409 = tpu.memref_slice %arg12[%select_n3A_398] : memref<4x!tpu.dma_semaphore, #tpu.memory_space<semaphore_mem>> -> memref<1x!tpu.dma_semaphore, #tpu.memory_space<semaphore_mem>>
        %dma_start3A_410 = tpu.memref_squeeze %dma_start3A_409 : memref<1x!tpu.dma_semaphore, #tpu.memory_space<semaphore_mem>> -> memref<!tpu.dma_semaphore, #tpu.memory_space<semaphore_mem>>
        tpu.enqueue_indirect_dma source(%dma_start3A_408 : memref<8192x128xf32, #tpu.memory_space<hbm>>) target(%dma_start3A_402 : memref<80x128xf32, #tpu.memory_space<vmem>>) offsets(%dma_start3A_405 : memref<80xi32, #tpu.memory_space<vmem>>) semaphore(%dma_start3A_410 : memref<!tpu.dma_semaphore, #tpu.memory_space<semaphore_mem>>)
      } else {
      }
      %add3A_250 = arith.constant 4 : i32
      %add3A_251 = arith.addi %add3A_239, %add3A_250 : i32
      %lt3A_252 = arith.constant 125 : i32
      %lt3A_253 = arith.cmpi slt, %add3A_251, %lt3A_252 : i32
      %convert_element_type3A_254 = arith.extui %lt3A_253 : i1 to i32
      %cond3A_255 = arith.constant 0 : i32
      %cond3A_256 = arith.cmpi ne, %convert_element_type3A_254, %cond3A_255 : i32
      scf.if %cond3A_256 {
        %add3A_325 = arith.constant 4 : i32
        %add3A_326 = arith.addi %add3A_239, %add3A_325 : i32
        %add3A_327 = arith.constant 4 : i32
        %add3A_328 = arith.addi %add3A_239, %add3A_327 : i32
        %jit3A_329 = arith.constant 6 : i32
        %eq3A_330 = arith.constant 0 : i32
        %eq3A_331 = arith.cmpi eq, %jit3A_329, %eq3A_330 : i32
        %jit3A_332 = arith.constant 1 : i32
        %select_n3A_333 = arith.select %eq3A_331, %jit3A_332, %jit3A_329 : i32
        %rem3A_334 = arith.remsi %add3A_328, %select_n3A_333 : i32
        %ne3A_335 = arith.constant 0 : i32
        %ne3A_336 = arith.cmpi ne, %rem3A_334, %ne3A_335 : i32
        %lt3A_337 = arith.constant 0 : i32
        %lt3A_338 = arith.cmpi slt, %rem3A_334, %lt3A_337 : i32
        %lt3A_339 = arith.constant 0 : i32
        %lt3A_340 = arith.cmpi slt, %select_n3A_333, %lt3A_339 : i32
        %ne3A_341 = arith.xori %lt3A_338, %lt3A_340 : i1
        %and3A_342 = arith.andi %ne3A_341, %ne3A_336 : i1
        %add3A_343 = arith.addi %rem3A_334, %select_n3A_333 : i32
        %select_n3A_344 = arith.select %and3A_342, %add3A_343, %rem3A_334 : i32
        %mul3A_345 = arith.constant 80 : i32
        %mul3A_346 = arith.muli %add3A_326, %mul3A_345 : i32
        %add3A_347 = arith.addi %mul3A_2, %mul3A_346 : i32
        %dma_start3A_348 = arith.constant 0 : i32
        %dma_start3A_349 = tpu.memref_slice %arg8[%select_n3A_344, %dma_start3A_348] : memref<6x80xi32, #tpu.memory_space<vmem>> -> memref<1x80xi32, #tpu.memory_space<vmem>>
        %dma_start3A_350 = tpu.memref_squeeze %dma_start3A_349 : memref<1x80xi32, #tpu.memory_space<vmem>> -> memref<80xi32, #tpu.memory_space<vmem>>
        %dma_start3A_351 = tpu.memref_slice %arg3[%add3A_347] : memref<320000xi32, #tpu.memory_space<hbm>> -> memref<80xi32, #tpu.memory_space<hbm>>
        %dma_start3A_352 = arith.constant 0 : i32
        %dma_start3A_353 = tpu.memref_slice %arg8[%select_n3A_344, %dma_start3A_352] : memref<6x80xi32, #tpu.memory_space<vmem>> -> memref<1x80xi32, #tpu.memory_space<vmem>>
        %dma_start3A_354 = tpu.memref_squeeze %dma_start3A_353 : memref<1x80xi32, #tpu.memory_space<vmem>> -> memref<80xi32, #tpu.memory_space<vmem>>
        %dma_start3A_355 = tpu.memref_slice %arg3[%add3A_347] : memref<320000xi32, #tpu.memory_space<hbm>> -> memref<80xi32, #tpu.memory_space<hbm>>
        tpu.enqueue_dma source(%dma_start3A_355 : memref<80xi32, #tpu.memory_space<hbm>>) target(%dma_start3A_354 : memref<80xi32, #tpu.memory_space<vmem>>) target_semaphore(%arg11 : memref<!tpu.dma_semaphore, #tpu.memory_space<semaphore_mem>>)
        %mul3A_356 = arith.constant 80 : i32
        %mul3A_357 = arith.muli %add3A_326, %mul3A_356 : i32
        %add3A_358 = arith.addi %mul3A_2, %mul3A_357 : i32
        %dma_start3A_359 = arith.constant 0 : i32
        %dma_start3A_360 = tpu.memref_slice %arg9[%select_n3A_344, %dma_start3A_359] : memref<6x80xi32, #tpu.memory_space<vmem>> -> memref<1x80xi32, #tpu.memory_space<vmem>>
        %dma_start3A_361 = tpu.memref_squeeze %dma_start3A_360 : memref<1x80xi32, #tpu.memory_space<vmem>> -> memref<80xi32, #tpu.memory_space<vmem>>
        %dma_start3A_362 = tpu.memref_slice %arg4[%add3A_358] : memref<320000xi32, #tpu.memory_space<hbm>> -> memref<80xi32, #tpu.memory_space<hbm>>
        %dma_start3A_363 = arith.constant 0 : i32
        %dma_start3A_364 = tpu.memref_slice %arg9[%select_n3A_344, %dma_start3A_363] : memref<6x80xi32, #tpu.memory_space<vmem>> -> memref<1x80xi32, #tpu.memory_space<vmem>>
        %dma_start3A_365 = tpu.memref_squeeze %dma_start3A_364 : memref<1x80xi32, #tpu.memory_space<vmem>> -> memref<80xi32, #tpu.memory_space<vmem>>
        %dma_start3A_366 = tpu.memref_slice %arg4[%add3A_358] : memref<320000xi32, #tpu.memory_space<hbm>> -> memref<80xi32, #tpu.memory_space<hbm>>
        tpu.enqueue_dma source(%dma_start3A_366 : memref<80xi32, #tpu.memory_space<hbm>>) target(%dma_start3A_365 : memref<80xi32, #tpu.memory_space<vmem>>) target_semaphore(%arg11 : memref<!tpu.dma_semaphore, #tpu.memory_space<semaphore_mem>>)
      } else {
      }
      %jit3A = arith.constant 4 : i32
      %eq3A_257 = arith.constant 0 : i32
      %eq3A_258 = arith.cmpi eq, %jit3A, %eq3A_257 : i32
      %jit3A_259 = arith.constant 1 : i32
      %select_n3A = arith.select %eq3A_258, %jit3A_259, %jit3A : i32
      %rem3A = arith.remsi %add3A_239, %select_n3A : i32
      %ne3A = arith.constant 0 : i32
      %ne3A_260 = arith.cmpi ne, %rem3A, %ne3A : i32
      %lt3A_261 = arith.constant 0 : i32
      %lt3A_262 = arith.cmpi slt, %rem3A, %lt3A_261 : i32
      %lt3A_263 = arith.constant 0 : i32
      %lt3A_264 = arith.cmpi slt, %select_n3A, %lt3A_263 : i32
      %ne3A_265 = arith.xori %lt3A_262, %lt3A_264 : i1
      %and3A = arith.andi %ne3A_265, %ne3A_260 : i1
      %add3A_266 = arith.addi %rem3A, %select_n3A : i32
      %select_n3A_267 = arith.select %and3A, %add3A_266, %rem3A : i32
      %dma_wait3A_268 = arith.constant 0 : i32
      %dma_wait3A_269 = arith.constant 0 : i32
      %dma_wait3A_270 = arith.constant 0 : i32
      %dma_wait3A_271 = tpu.memref_slice %arg10[%select_n3A_267, %dma_wait3A_269, %dma_wait3A_270] : memref<4x80x128xf32, #tpu.memory_space<vmem>> -> memref<1x80x128xf32, #tpu.memory_space<vmem>>
      %dma_wait3A_272 = tpu.memref_squeeze %dma_wait3A_271 : memref<1x80x128xf32, #tpu.memory_space<vmem>> -> memref<80x128xf32, #tpu.memory_space<vmem>>
      %dma_wait3A_273 = arith.constant 0 : i32
      %dma_wait3A_274 = tpu.memref_slice %arg8[%dma_wait3A_268, %dma_wait3A_273] : memref<6x80xi32, #tpu.memory_space<vmem>> -> memref<1x80xi32, #tpu.memory_space<vmem>>
      %dma_wait3A_275 = tpu.memref_squeeze %dma_wait3A_274 : memref<1x80xi32, #tpu.memory_space<vmem>> -> memref<80xi32, #tpu.memory_space<vmem>>
      %dma_wait3A_276 = arith.constant 0 : i32
      %dma_wait3A_277 = arith.constant 0 : i32
      %dma_wait3A_278 = tpu.memref_slice %arg2[%dma_wait3A_276, %dma_wait3A_277] : memref<8192x128xf32, #tpu.memory_space<hbm>> -> memref<8192x128xf32, #tpu.memory_space<hbm>>
      %dma_wait3A_279 = tpu.memref_slice %arg12[%select_n3A_267] : memref<4x!tpu.dma_semaphore, #tpu.memory_space<semaphore_mem>> -> memref<1x!tpu.dma_semaphore, #tpu.memory_space<semaphore_mem>>
      %dma_wait3A_280 = tpu.memref_squeeze %dma_wait3A_279 : memref<1x!tpu.dma_semaphore, #tpu.memory_space<semaphore_mem>> -> memref<!tpu.dma_semaphore, #tpu.memory_space<semaphore_mem>>
      tpu.wait_indirect_dma semaphore(%dma_wait3A_280 : memref<!tpu.dma_semaphore, #tpu.memory_space<semaphore_mem>>) src(%dma_wait3A_278 : memref<8192x128xf32, #tpu.memory_space<hbm>>) dst(%dma_wait3A_272 : memref<80x128xf32, #tpu.memory_space<vmem>>)
      %jit3A_281 = arith.constant 6 : i32
      %eq3A_282 = arith.constant 0 : i32
      %eq3A_283 = arith.cmpi eq, %jit3A_281, %eq3A_282 : i32
      %jit3A_284 = arith.constant 1 : i32
      %select_n3A_285 = arith.select %eq3A_283, %jit3A_284, %jit3A_281 : i32
      %rem3A_286 = arith.remsi %add3A_239, %select_n3A_285 : i32
      %ne3A_287 = arith.constant 0 : i32
      %ne3A_288 = arith.cmpi ne, %rem3A_286, %ne3A_287 : i32
      %lt3A_289 = arith.constant 0 : i32
      %lt3A_290 = arith.cmpi slt, %rem3A_286, %lt3A_289 : i32
      %lt3A_291 = arith.constant 0 : i32
      %lt3A_292 = arith.cmpi slt, %select_n3A_285, %lt3A_291 : i32
      %ne3A_293 = arith.xori %lt3A_290, %lt3A_292 : i1
      %and3A_294 = arith.andi %ne3A_293, %ne3A_288 : i1
      %add3A_295 = arith.addi %rem3A_286, %select_n3A_285 : i32
      %select_n3A_296 = arith.select %and3A_294, %add3A_295, %rem3A_286 : i32
      %jit3A_297 = arith.constant 4 : i32
      %eq3A_298 = arith.constant 0 : i32
      %eq3A_299 = arith.cmpi eq, %jit3A_297, %eq3A_298 : i32
      %jit3A_300 = arith.constant 1 : i32
      %select_n3A_301 = arith.select %eq3A_299, %jit3A_300, %jit3A_297 : i32
      %rem3A_302 = arith.remsi %add3A_239, %select_n3A_301 : i32
      %ne3A_303 = arith.constant 0 : i32
      %ne3A_304 = arith.cmpi ne, %rem3A_302, %ne3A_303 : i32
      %lt3A_305 = arith.constant 0 : i32
      %lt3A_306 = arith.cmpi slt, %rem3A_302, %lt3A_305 : i32
      %lt3A_307 = arith.constant 0 : i32
      %lt3A_308 = arith.cmpi slt, %select_n3A_301, %lt3A_307 : i32
      %ne3A_309 = arith.xori %lt3A_306, %lt3A_308 : i1
      %and3A_310 = arith.andi %ne3A_309, %ne3A_304 : i1
      %add3A_311 = arith.addi %rem3A_302, %select_n3A_301 : i32
      %select_n3A_312 = arith.select %and3A_310, %add3A_311, %rem3A_302 : i32
      %dma_start3A_313 = arith.constant 0 : i32
      %dma_start3A_314 = arith.constant 0 : i32
      %dma_start3A_315 = tpu.memref_slice %arg10[%select_n3A_312, %dma_start3A_313, %dma_start3A_314] : memref<4x80x128xf32, #tpu.memory_space<vmem>> -> memref<1x80x128xf32, #tpu.memory_space<vmem>>
      %dma_start3A_316 = tpu.memref_squeeze %dma_start3A_315 : memref<1x80x128xf32, #tpu.memory_space<vmem>> -> memref<80x128xf32, #tpu.memory_space<vmem>>
      %dma_start3A_317 = arith.constant 0 : i32
      %dma_start3A_318 = tpu.memref_slice %arg9[%select_n3A_296, %dma_start3A_317] : memref<6x80xi32, #tpu.memory_space<vmem>> -> memref<1x80xi32, #tpu.memory_space<vmem>>
      %dma_start3A_319 = tpu.memref_squeeze %dma_start3A_318 : memref<1x80xi32, #tpu.memory_space<vmem>> -> memref<80xi32, #tpu.memory_space<vmem>>
      %dma_start3A_320 = arith.constant 0 : i32
      %dma_start3A_321 = arith.constant 0 : i32
      %dma_start3A_322 = tpu.memref_slice %arg7[%dma_start3A_320, %dma_start3A_321] : memref<10000x128xf32, #tpu.memory_space<vmem_shared>> -> memref<10000x128xf32, #tpu.memory_space<vmem_shared>>
      %dma_start3A_323 = tpu.memref_slice %arg13[%select_n3A_312] : memref<4x!tpu.dma_semaphore, #tpu.memory_space<semaphore_mem>> -> memref<1x!tpu.dma_semaphore, #tpu.memory_space<semaphore_mem>>
      %dma_start3A_324 = tpu.memref_squeeze %dma_start3A_323 : memref<1x!tpu.dma_semaphore, #tpu.memory_space<semaphore_mem>> -> memref<!tpu.dma_semaphore, #tpu.memory_space<semaphore_mem>>
      tpu.enqueue_indirect_dma source(%dma_start3A_316 : memref<80x128xf32, #tpu.memory_space<vmem>>) target(%dma_start3A_322 : memref<10000x128xf32, #tpu.memory_space<vmem_shared>>) offsets(%dma_start3A_319 : memref<80xi32, #tpu.memory_space<vmem>>) semaphore(%dma_start3A_324 : memref<!tpu.dma_semaphore, #tpu.memory_space<semaphore_mem>>) {add = true}
    }
    %scan3A_209 = arith.constant 125 : i32
    %dma_wait3A_210 = arith.constant 0 : i32
    %dma_wait3A_211 = arith.constant 0 : i32
    %dma_wait3A_212 = arith.constant 0 : i32
    %dma_wait3A_213 = arith.constant 0 : i32
    %dma_wait3A_214 = arith.constant 0 : i32
    %dma_wait3A_215 = tpu.memref_slice %arg10[%dma_wait3A_210, %dma_wait3A_213, %dma_wait3A_214] : memref<4x80x128xf32, #tpu.memory_space<vmem>> -> memref<1x80x128xf32, #tpu.memory_space<vmem>>
    %dma_wait3A_216 = tpu.memref_squeeze %dma_wait3A_215 : memref<1x80x128xf32, #tpu.memory_space<vmem>> -> memref<80x128xf32, #tpu.memory_space<vmem>>
    %dma_wait3A_217 = arith.constant 0 : i32
    %dma_wait3A_218 = tpu.memref_slice %arg9[%dma_wait3A_211, %dma_wait3A_217] : memref<6x80xi32, #tpu.memory_space<vmem>> -> memref<1x80xi32, #tpu.memory_space<vmem>>
    %dma_wait3A_219 = tpu.memref_squeeze %dma_wait3A_218 : memref<1x80xi32, #tpu.memory_space<vmem>> -> memref<80xi32, #tpu.memory_space<vmem>>
    %dma_wait3A_220 = arith.constant 0 : i32
    %dma_wait3A_221 = arith.constant 0 : i32
    %dma_wait3A_222 = tpu.memref_slice %arg7[%dma_wait3A_220, %dma_wait3A_221] : memref<10000x128xf32, #tpu.memory_space<vmem_shared>> -> memref<10000x128xf32, #tpu.memory_space<vmem_shared>>
    %dma_wait3A_223 = tpu.memref_slice %arg13[%dma_wait3A_212] : memref<4x!tpu.dma_semaphore, #tpu.memory_space<semaphore_mem>> -> memref<1x!tpu.dma_semaphore, #tpu.memory_space<semaphore_mem>>
    %dma_wait3A_224 = tpu.memref_squeeze %dma_wait3A_223 : memref<1x!tpu.dma_semaphore, #tpu.memory_space<semaphore_mem>> -> memref<!tpu.dma_semaphore, #tpu.memory_space<semaphore_mem>>
    tpu.wait_indirect_dma semaphore(%dma_wait3A_224 : memref<!tpu.dma_semaphore, #tpu.memory_space<semaphore_mem>>) src(%dma_wait3A_216 : memref<80x128xf32, #tpu.memory_space<vmem>>) dst(%dma_wait3A_222 : memref<10000x128xf32, #tpu.memory_space<vmem_shared>>)
    %barrier3A_225 = arith.constant 0 : index
    tpu.barrier barrier_id(%barrier3A_225)
    %mul3A_226 = arith.constant 624 : i32
    %mul3A_227 = arith.muli %arg1, %mul3A_226 : i32
    %mul3A_228 = arith.constant 624 : i32
    %mul3A_229 = arith.muli %arg1, %mul3A_228 : i32
    "tpu.region"() ({
      %run_scoped3A = tpu.sem_alloc : memref<!tpu.dma_semaphore, #tpu.memory_space<semaphore_mem>>
      %dma_start3A_235 = arith.constant 0 : i32
      %dma_start3A_236 = tpu.memref_slice %arg6[%arg0, %mul3A_229, %dma_start3A_235] : memref<2x10000x128xf32, #tpu.memory_space<hbm>> -> memref<1x624x128xf32, #tpu.memory_space<hbm>>
      %dma_start3A_237 = tpu.memref_squeeze %dma_start3A_236 : memref<1x624x128xf32, #tpu.memory_space<hbm>> -> memref<624x128xf32, #tpu.memory_space<hbm>>
      %dma_start3A_238 = arith.constant 0 : i32
      %dma_start3A_239 = tpu.memref_slice %arg7[%mul3A_227, %dma_start3A_238] : memref<10000x128xf32, #tpu.memory_space<vmem_shared>> -> memref<624x128xf32, #tpu.memory_space<vmem_shared>>
      tpu.enqueue_dma source(%dma_start3A_239 : memref<624x128xf32, #tpu.memory_space<vmem_shared>>) target(%dma_start3A_237 : memref<624x128xf32, #tpu.memory_space<hbm>>) target_semaphore(%run_scoped3A : memref<!tpu.dma_semaphore, #tpu.memory_space<semaphore_mem>>)
      %dma_wait3A_240 = arith.constant 0 : i32
      %dma_wait3A_241 = tpu.memref_slice %arg6[%arg0, %mul3A_229, %dma_wait3A_240] : memref<2x10000x128xf32, #tpu.memory_space<hbm>> -> memref<1x624x128xf32, #tpu.memory_space<hbm>>
      %dma_wait3A_242 = tpu.memref_squeeze %dma_wait3A_241 : memref<1x624x128xf32, #tpu.memory_space<hbm>> -> memref<624x128xf32, #tpu.memory_space<hbm>>
      %dma_wait3A_243 = arith.constant 0 : i32
      %dma_wait3A_244 = tpu.memref_slice %arg7[%mul3A_227, %dma_wait3A_243] : memref<10000x128xf32, #tpu.memory_space<vmem_shared>> -> memref<624x128xf32, #tpu.memory_space<vmem_shared>>
      tpu.wait_dma2 semaphore(%run_scoped3A : memref<!tpu.dma_semaphore, #tpu.memory_space<semaphore_mem>>) src(%dma_wait3A_244 : memref<624x128xf32, #tpu.memory_space<vmem_shared>>) dst(%dma_wait3A_242 : memref<624x128xf32, #tpu.memory_space<hbm>>)
      tpu.yield
    }) : () -> ()
    %eq3A_230 = arith.constant 15 : i32
    %eq3A_231 = arith.cmpi eq, %arg1, %eq3A_230 : i32
    %convert_element_type3A_232 = arith.extui %eq3A_231 : i1 to i32
    %cond3A_233 = arith.constant 0 : i32
    %cond3A_234 = arith.cmpi ne, %convert_element_type3A_232, %cond3A_233 : i32
    scf.if %cond3A_234 {
      "tpu.region"() ({
        %run_scoped3A = tpu.sem_alloc : memref<!tpu.dma_semaphore, #tpu.memory_space<semaphore_mem>>
        %dma_start3A_235 = arith.constant 9984 : i32
        %dma_start3A_236 = arith.constant 0 : i32
        %dma_start3A_237 = tpu.memref_slice %arg6[%arg0, %dma_start3A_235, %dma_start3A_236] : memref<2x10000x128xf32, #tpu.memory_space<hbm>> -> memref<1x16x128xf32, #tpu.memory_space<hbm>>
        %dma_start3A_238 = tpu.memref_squeeze %dma_start3A_237 : memref<1x16x128xf32, #tpu.memory_space<hbm>> -> memref<16x128xf32, #tpu.memory_space<hbm>>
        %dma_start3A_239 = arith.constant 9984 : i32
        %dma_start3A_240 = arith.constant 0 : i32
        %dma_start3A_241 = tpu.memref_slice %arg7[%dma_start3A_239, %dma_start3A_240] : memref<10000x128xf32, #tpu.memory_space<vmem_shared>> -> memref<16x128xf32, #tpu.memory_space<vmem_shared>>
        tpu.enqueue_dma source(%dma_start3A_241 : memref<16x128xf32, #tpu.memory_space<vmem_shared>>) target(%dma_start3A_238 : memref<16x128xf32, #tpu.memory_space<hbm>>) target_semaphore(%run_scoped3A : memref<!tpu.dma_semaphore, #tpu.memory_space<semaphore_mem>>)
        %dma_wait3A_242 = arith.constant 9984 : i32
        %dma_wait3A_243 = arith.constant 0 : i32
        %dma_wait3A_244 = tpu.memref_slice %arg6[%arg0, %dma_wait3A_242, %dma_wait3A_243] : memref<2x10000x128xf32, #tpu.memory_space<hbm>> -> memref<1x16x128xf32, #tpu.memory_space<hbm>>
        %dma_wait3A_245 = tpu.memref_squeeze %dma_wait3A_244 : memref<1x16x128xf32, #tpu.memory_space<hbm>> -> memref<16x128xf32, #tpu.memory_space<hbm>>
        %dma_wait3A_246 = arith.constant 9984 : i32
        %dma_wait3A_247 = arith.constant 0 : i32
        %dma_wait3A_248 = tpu.memref_slice %arg7[%dma_wait3A_246, %dma_wait3A_247] : memref<10000x128xf32, #tpu.memory_space<vmem_shared>> -> memref<16x128xf32, #tpu.memory_space<vmem_shared>>
        tpu.wait_dma2 semaphore(%run_scoped3A : memref<!tpu.dma_semaphore, #tpu.memory_space<semaphore_mem>>) src(%dma_wait3A_248 : memref<16x128xf32, #tpu.memory_space<vmem_shared>>) dst(%dma_wait3A_245 : memref<16x128xf32, #tpu.memory_space<hbm>>)
        tpu.yield
      }) : () -> ()
    } else {
    }
    return
  }
}

module attributes {stable_mosaic.version = 14 : i64} {
  func.func @_agent_body(%arg0: memref<2048x80xf32, #tpu.memory_space<vmem>>, %arg1: memref<80x128xf32, #tpu.memory_space<vmem>>, %arg2: memref<2048x128xf32, #tpu.memory_space<vmem>>) attributes {dimension_semantics = [], scalar_prefetch = 0 : i64, scratch_operands = 0 : i64, tpu.core_type = #tpu.core_type<tc>} {
    %get3A = arith.constant 0 : index
    %get3A_0 = arith.constant 0 : index
    %get3A_1 = vector.load %arg0[%get3A, %get3A_0] : memref<2048x80xf32, #tpu.memory_space<vmem>>, vector<2048x80xf32>
    %get3A_2 = arith.constant 0 : index
    %get3A_3 = arith.constant 0 : index
    %get3A_4 = vector.load %arg1[%get3A_2, %get3A_3] : memref<80x128xf32, #tpu.memory_space<vmem>>, vector<80x128xf32>
    %dot_general3A = arith.constant dense<0.000000e+00> : vector<2048x128xf32>
    %dot_general3A_5 = tpu.matmul %get3A_1, %get3A_4, %dot_general3A {dimension_numbers = #tpu.dot_dimension_numbers<[1], [0], [0], [1], [0, 0, 1, 1], [], []>, precision = #tpu.contract_precision<fp32>, transpose_lhs_hint = false} : vector<2048x80xf32>, vector<80x128xf32>, vector<2048x128xf32> -> vector<2048x128xf32>
    %swap3A = arith.constant 0 : index
    %swap3A_6 = arith.constant 0 : index
    %swap3A_7 = vector.load %arg2[%swap3A, %swap3A_6] : memref<2048x128xf32, #tpu.memory_space<vmem>>, vector<2048x128xf32>
    tpu.vector_store %arg2[%swap3A, %swap3A_6], %dot_general3A_5 {strides = array<i32>} : memref<2048x128xf32, #tpu.memory_space<vmem>>, vector<2048x128xf32>,
    return
  }
}

module attributes {stable_mosaic.version = 14 : i64} {
  func.func @_map_body(%arg0: i32, %arg1: memref<2000x8xf32, #tpu.memory_space<vmem>>, %arg2: memref<8x128xf32, #tpu.memory_space<vmem>>, %arg3: memref<1x128xf32, #tpu.memory_space<vmem>>, %arg4: memref<128x128xf32, #tpu.memory_space<vmem>>, %arg5: memref<1x128xf32, #tpu.memory_space<vmem>>, %arg6: memref<1x128xf32, #tpu.memory_space<vmem>>, %arg7: memref<2000x128xf32, #tpu.memory_space<vmem>>) attributes {dimension_semantics = [#tpu.dimension_semantics<arbitrary>], iteration_bounds = array<i64: 5>, scalar_prefetch = 0 : i64, scratch_operands = 0 : i64, tpu.core_type = #tpu.core_type<tc>, window_params = [{transform_indices = @transform_0, window_bounds = array<i64: 2000, 8>}, {pipeline_mode = #tpu.pipeline_mode<synchronous>, transform_indices = @transform_1, window_bounds = array<i64: 8, 128>}, {pipeline_mode = #tpu.pipeline_mode<synchronous>, transform_indices = @transform_2, window_bounds = array<i64: 1, 128>}, {pipeline_mode = #tpu.pipeline_mode<synchronous>, transform_indices = @transform_3, window_bounds = array<i64: 128, 128>}, {pipeline_mode = #tpu.pipeline_mode<synchronous>, transform_indices = @transform_4, window_bounds = array<i64: 1, 128>}, {pipeline_mode = #tpu.pipeline_mode<synchronous>, transform_indices = @transform_5, window_bounds = array<i64: 1, 128>}, {transform_indices = @transform_6, window_bounds = array<i64: 2000, 128>}]} {
    %get3A = arith.constant 0 : index
    %get3A_0 = arith.constant 0 : index
    %get3A_1 = vector.load %arg1[%get3A, %get3A_0] : memref<2000x8xf32, #tpu.memory_space<vmem>>, vector<2000x8xf32>
    %get3A_2 = arith.constant 0 : index
    %get3A_3 = arith.constant 0 : index
    %get3A_4 = vector.load %arg2[%get3A_2, %get3A_3] : memref<8x128xf32, #tpu.memory_space<vmem>>, vector<8x128xf32>
    %dot_general3A = arith.constant dense<0.000000e+00> : vector<2000x128xf32>
    %dot_general3A_5 = tpu.matmul %get3A_1, %get3A_4, %dot_general3A {dimension_numbers = #tpu.dot_dimension_numbers<[1], [0], [0], [1], [0, 0, 1, 1], [], []>, precision = #tpu.contract_precision<fp32>, transpose_lhs_hint = false} : vector<2000x8xf32>, vector<8x128xf32>, vector<2000x128xf32> -> vector<2000x128xf32>
    %get3A_6 = arith.constant 0 : index
    %get3A_7 = arith.constant 0 : index
    %get3A_8 = vector.load %arg3[%get3A_6, %get3A_7] : memref<1x128xf32, #tpu.memory_space<vmem>>, vector<1x128xf32>
    %add3A = vector.broadcast %get3A_8 : vector<1x128xf32> to vector<2000x128xf32>
    %add3A_9 = arith.addf %dot_general3A_5, %add3A : vector<2000x128xf32>
    %max3A = arith.constant 0.000000e+00 : f32
    %max3A_10 = vector.broadcast %max3A : f32 to vector<2000x128xf32>
    %max3A_11 = arith.maximumf %add3A_9, %max3A_10 : vector<2000x128xf32>
    %get3A_12 = arith.constant 0 : index
    %get3A_13 = arith.constant 0 : index
    %get3A_14 = vector.load %arg4[%get3A_12, %get3A_13] : memref<128x128xf32, #tpu.memory_space<vmem>>, vector<128x128xf32>
    %dot_general3A_15 = arith.constant dense<0.000000e+00> : vector<2000x128xf32>
    %dot_general3A_16 = tpu.matmul %max3A_11, %get3A_14, %dot_general3A_15 {dimension_numbers = #tpu.dot_dimension_numbers<[1], [0], [0], [1], [0, 0, 1, 1], [], []>, precision = #tpu.contract_precision<fp32>, transpose_lhs_hint = false} : vector<2000x128xf32>, vector<128x128xf32>, vector<2000x128xf32> -> vector<2000x128xf32>
    %get3A_17 = arith.constant 0 : index
    %get3A_18 = arith.constant 0 : index
    %get3A_19 = vector.load %arg5[%get3A_17, %get3A_18] : memref<1x128xf32, #tpu.memory_space<vmem>>, vector<1x128xf32>
    %get3A_20 = arith.constant 0 : index
    %get3A_21 = arith.constant 0 : index
    %get3A_22 = vector.load %arg6[%get3A_20, %get3A_21] : memref<1x128xf32, #tpu.memory_space<vmem>>, vector<1x128xf32>
    %reduce_sum3A = arith.constant dense<0.000000e+00> : vector<2000xf32>
    %reduce_sum3A_23 = vector.multi_reduction <add>, %dot_general3A_16, %reduce_sum3A [1] : vector<2000x128xf32> to vector<2000xf32>
    %broadcast_in_dim3A = vector.shape_cast %reduce_sum3A_23 : vector<2000xf32> to vector<2000x1xf32>
    %div3A = arith.constant 1.280000e+02 : f32
    %div3A_24 = vector.broadcast %div3A : f32 to vector<2000x1xf32>
    %div3A_25 = arith.divf %broadcast_in_dim3A, %div3A_24 : vector<2000x1xf32>
    %jit3A = arith.constant 0 : i32
    %reduce_sum3A_26 = arith.constant dense<0.000000e+00> : vector<2000xf32>
    %reduce_sum3A_27 = vector.multi_reduction <add>, %dot_general3A_16, %reduce_sum3A_26 [1] : vector<2000x128xf32> to vector<2000xf32>
    %broadcast_in_dim3A_28 = vector.shape_cast %reduce_sum3A_27 : vector<2000xf32> to vector<2000x1xf32>
    %div3A_29 = arith.constant 1.280000e+02 : f32
    %div3A_30 = vector.broadcast %div3A_29 : f32 to vector<2000x1xf32>
    %div3A_31 = arith.divf %broadcast_in_dim3A_28, %div3A_30 : vector<2000x1xf32>
    %sub3A = vector.broadcast %div3A_31 : vector<2000x1xf32> to vector<2000x128xf32>
    %sub3A_32 = arith.subf %dot_general3A_16, %sub3A : vector<2000x128xf32>
    %square3A = arith.mulf %sub3A_32, %sub3A_32 : vector<2000x128xf32>
    %convert_element_type3A = arith.sitofp %jit3A : i32 to f32
    %sub3A_33 = arith.constant 1.280000e+02 : f32
    %sub3A_34 = arith.subf %sub3A_33, %convert_element_type3A : f32
    %reduce_sum3A_35 = arith.constant dense<0.000000e+00> : vector<2000xf32>
    %reduce_sum3A_36 = vector.multi_reduction <add>, %square3A, %reduce_sum3A_35 [1] : vector<2000x128xf32> to vector<2000xf32>
    %broadcast_in_dim3A_37 = vector.shape_cast %reduce_sum3A_36 : vector<2000xf32> to vector<2000x1xf32>
    %div3A_38 = vector.broadcast %sub3A_34 : f32 to vector<2000x1xf32>
    %div3A_39 = arith.divf %broadcast_in_dim3A_37, %div3A_38 : vector<2000x1xf32>
    %gt3A = arith.constant 0.000000e+00 : f32
    %gt3A_40 = arith.cmpf ogt, %sub3A_34, %gt3A : f32
    %jit3A_41 = arith.constant 0x7FC00000 : f32
    %broadcast_in_dim3A_42 = vector.broadcast %jit3A_41 : f32 to vector<2000x1xf32>
    %select_n3A = arith.select %gt3A_40, %div3A_39, %broadcast_in_dim3A_42 : vector<2000x1xf32>
    %sub3A_43 = vector.broadcast %div3A_25 : vector<2000x1xf32> to vector<2000x128xf32>
    %sub3A_44 = arith.subf %dot_general3A_16, %sub3A_43 : vector<2000x128xf32>
    %add3A_45 = arith.constant 9.99999974E-6 : f32
    %add3A_46 = vector.broadcast %add3A_45 : f32 to vector<2000x1xf32>
    %add3A_47 = arith.addf %select_n3A, %add3A_46 : vector<2000x1xf32>
    %rsqrt3A = math.rsqrt %add3A_47 : vector<2000x1xf32>
    %mul3A = vector.broadcast %rsqrt3A : vector<2000x1xf32> to vector<2000x128xf32>
    %mul3A_48 = arith.mulf %sub3A_44, %mul3A : vector<2000x128xf32>
    %mul3A_49 = vector.broadcast %get3A_19 : vector<1x128xf32> to vector<2000x128xf32>
    %mul3A_50 = arith.mulf %mul3A_48, %mul3A_49 : vector<2000x128xf32>
    %add3A_51 = vector.broadcast %get3A_22 : vector<1x128xf32> to vector<2000x128xf32>
    %add3A_52 = arith.addf %mul3A_50, %add3A_51 : vector<2000x128xf32>
    %max3A_53 = arith.constant 0.000000e+00 : f32
    %max3A_54 = vector.broadcast %max3A_53 : f32 to vector<2000x128xf32>
    %max3A_55 = arith.maximumf %add3A_52, %max3A_54 : vector<2000x128xf32>
    %swap3A = arith.constant 0 : index
    %swap3A_56 = arith.constant 0 : index
    %swap3A_57 = vector.load %arg7[%swap3A, %swap3A_56] : memref<2000x128xf32, #tpu.memory_space<vmem>>, vector<2000x128xf32>
    tpu.vector_store %arg7[%swap3A, %swap3A_56], %max3A_55 {strides = array<i32>} : memref<2000x128xf32, #tpu.memory_space<vmem>>, vector<2000x128xf32>,
    return
  }
  func.func @transform_0(%arg0: i32) -> (i32, i32) {
    %c0_i32 = arith.constant 0 : i32
    %c0_i32_0 = arith.constant 0 : i32
    return %arg0, %c0_i32 : i32, i32
  }
  func.func @transform_1(%arg0: i32) -> (i32, i32) {
    %c0_i32 = arith.constant 0 : i32
    %c0_i32_0 = arith.constant 0 : i32
    %c0_i32_1 = arith.constant 0 : i32
    return %c0_i32, %c0_i32_0 : i32, i32
  }
  func.func @transform_2(%arg0: i32) -> (i32, i32) {
    %c0_i32 = arith.constant 0 : i32
    %c0_i32_0 = arith.constant 0 : i32
    %c0_i32_1 = arith.constant 0 : i32
    return %c0_i32, %c0_i32_0 : i32, i32
  }
  func.func @transform_3(%arg0: i32) -> (i32, i32) {
    %c0_i32 = arith.constant 0 : i32
    %c0_i32_0 = arith.constant 0 : i32
    %c0_i32_1 = arith.constant 0 : i32
    return %c0_i32, %c0_i32_0 : i32, i32
  }
  func.func @transform_4(%arg0: i32) -> (i32, i32) {
    %c0_i32 = arith.constant 0 : i32
    %c0_i32_0 = arith.constant 0 : i32
    %c0_i32_1 = arith.constant 0 : i32
    return %c0_i32, %c0_i32_0 : i32, i32
  }
  func.func @transform_5(%arg0: i32) -> (i32, i32) {
    %c0_i32 = arith.constant 0 : i32
    %c0_i32_0 = arith.constant 0 : i32
    %c0_i32_1 = arith.constant 0 : i32
    return %c0_i32, %c0_i32_0 : i32, i32
  }
  func.func @transform_6(%arg0: i32) -> (i32, i32) {
    %c0_i32 = arith.constant 0 : i32
    %c0_i32_0 = arith.constant 0 : i32
    return %arg0, %c0_i32 : i32, i32
  }
}

module attributes {stable_mosaic.version = 14 : i64} {
  func.func @_final_body(%arg0: i32, %arg1: memref<2000x128xf32, #tpu.memory_space<vmem>>, %arg2: memref<2000x128xf32, #tpu.memory_space<vmem>>, %arg3: memref<2000x128xf32, #tpu.memory_space<vmem>>, %arg4: memref<128x128xf32, #tpu.memory_space<vmem>>, %arg5: memref<128x128xf32, #tpu.memory_space<vmem>>, %arg6: memref<1x128xf32, #tpu.memory_space<vmem>>, %arg7: memref<1x128xf32, #tpu.memory_space<vmem>>, %arg8: memref<1x128xf32, #tpu.memory_space<vmem>>, %arg9: memref<1x128xf32, #tpu.memory_space<vmem>>, %arg10: memref<2000x128xf32, #tpu.memory_space<vmem>>) attributes {dimension_semantics = [#tpu.dimension_semantics<arbitrary>], iteration_bounds = array<i64: 5>, scalar_prefetch = 0 : i64, scratch_operands = 0 : i64, tpu.core_type = #tpu.core_type<tc>, window_params = [{transform_indices = @transform_0, window_bounds = array<i64: 2000, 128>}, {transform_indices = @transform_1, window_bounds = array<i64: 2000, 128>}, {transform_indices = @transform_2, window_bounds = array<i64: 2000, 128>}, {pipeline_mode = #tpu.pipeline_mode<synchronous>, transform_indices = @transform_3, window_bounds = array<i64: 128, 128>}, {pipeline_mode = #tpu.pipeline_mode<synchronous>, transform_indices = @transform_4, window_bounds = array<i64: 128, 128>}, {pipeline_mode = #tpu.pipeline_mode<synchronous>, transform_indices = @transform_5, window_bounds = array<i64: 1, 128>}, {pipeline_mode = #tpu.pipeline_mode<synchronous>, transform_indices = @transform_6, window_bounds = array<i64: 1, 128>}, {pipeline_mode = #tpu.pipeline_mode<synchronous>, transform_indices = @transform_7, window_bounds = array<i64: 1, 128>}, {pipeline_mode = #tpu.pipeline_mode<synchronous>, transform_indices = @transform_8, window_bounds = array<i64: 1, 128>}, {transform_indices = @transform_9, window_bounds = array<i64: 2000, 128>}]} {
    %get3A = arith.constant 0 : index
    %get3A_0 = arith.constant 0 : index
    %get3A_1 = vector.load %arg2[%get3A, %get3A_0] : memref<2000x128xf32, #tpu.memory_space<vmem>>, vector<2000x128xf32>
    %get3A_2 = arith.constant 0 : index
    %get3A_3 = arith.constant 0 : index
    %get3A_4 = vector.load %arg3[%get3A_2, %get3A_3] : memref<2000x128xf32, #tpu.memory_space<vmem>>, vector<2000x128xf32>
    %add3A = arith.addf %get3A_1, %get3A_4 : vector<2000x128xf32>
    %get3A_5 = arith.constant 0 : index
    %get3A_6 = arith.constant 0 : index
    %get3A_7 = vector.load %arg8[%get3A_5, %get3A_6] : memref<1x128xf32, #tpu.memory_space<vmem>>, vector<1x128xf32>
    %get3A_8 = arith.constant 0 : index
    %get3A_9 = arith.constant 0 : index
    %get3A_10 = vector.load %arg9[%get3A_8, %get3A_9] : memref<1x128xf32, #tpu.memory_space<vmem>>, vector<1x128xf32>
    %reduce_sum3A = arith.constant dense<0.000000e+00> : vector<2000xf32>
    %reduce_sum3A_11 = vector.multi_reduction <add>, %add3A, %reduce_sum3A [1] : vector<2000x128xf32> to vector<2000xf32>
    %broadcast_in_dim3A = vector.shape_cast %reduce_sum3A_11 : vector<2000xf32> to vector<2000x1xf32>
    %div3A = arith.constant 1.280000e+02 : f32
    %div3A_12 = vector.broadcast %div3A : f32 to vector<2000x1xf32>
    %div3A_13 = arith.divf %broadcast_in_dim3A, %div3A_12 : vector<2000x1xf32>
    %jit3A = arith.constant 0 : i32
    %reduce_sum3A_14 = arith.constant dense<0.000000e+00> : vector<2000xf32>
    %reduce_sum3A_15 = vector.multi_reduction <add>, %add3A, %reduce_sum3A_14 [1] : vector<2000x128xf32> to vector<2000xf32>
    %broadcast_in_dim3A_16 = vector.shape_cast %reduce_sum3A_15 : vector<2000xf32> to vector<2000x1xf32>
    %div3A_17 = arith.constant 1.280000e+02 : f32
    %div3A_18 = vector.broadcast %div3A_17 : f32 to vector<2000x1xf32>
    %div3A_19 = arith.divf %broadcast_in_dim3A_16, %div3A_18 : vector<2000x1xf32>
    %sub3A = vector.broadcast %div3A_19 : vector<2000x1xf32> to vector<2000x128xf32>
    %sub3A_20 = arith.subf %add3A, %sub3A : vector<2000x128xf32>
    %square3A = arith.mulf %sub3A_20, %sub3A_20 : vector<2000x128xf32>
    %convert_element_type3A = arith.sitofp %jit3A : i32 to f32
    %sub3A_21 = arith.constant 1.280000e+02 : f32
    %sub3A_22 = arith.subf %sub3A_21, %convert_element_type3A : f32
    %reduce_sum3A_23 = arith.constant dense<0.000000e+00> : vector<2000xf32>
    %reduce_sum3A_24 = vector.multi_reduction <add>, %square3A, %reduce_sum3A_23 [1] : vector<2000x128xf32> to vector<2000xf32>
    %broadcast_in_dim3A_25 = vector.shape_cast %reduce_sum3A_24 : vector<2000xf32> to vector<2000x1xf32>
    %div3A_26 = vector.broadcast %sub3A_22 : f32 to vector<2000x1xf32>
    %div3A_27 = arith.divf %broadcast_in_dim3A_25, %div3A_26 : vector<2000x1xf32>
    %gt3A = arith.constant 0.000000e+00 : f32
    %gt3A_28 = arith.cmpf ogt, %sub3A_22, %gt3A : f32
    %jit3A_29 = arith.constant 0x7FC00000 : f32
    %broadcast_in_dim3A_30 = vector.broadcast %jit3A_29 : f32 to vector<2000x1xf32>
    %select_n3A = arith.select %gt3A_28, %div3A_27, %broadcast_in_dim3A_30 : vector<2000x1xf32>
    %sub3A_31 = vector.broadcast %div3A_13 : vector<2000x1xf32> to vector<2000x128xf32>
    %sub3A_32 = arith.subf %add3A, %sub3A_31 : vector<2000x128xf32>
    %add3A_33 = arith.constant 9.99999974E-6 : f32
    %add3A_34 = vector.broadcast %add3A_33 : f32 to vector<2000x1xf32>
    %add3A_35 = arith.addf %select_n3A, %add3A_34 : vector<2000x1xf32>
    %rsqrt3A = math.rsqrt %add3A_35 : vector<2000x1xf32>
    %mul3A = vector.broadcast %rsqrt3A : vector<2000x1xf32> to vector<2000x128xf32>
    %mul3A_36 = arith.mulf %sub3A_32, %mul3A : vector<2000x128xf32>
    %mul3A_37 = vector.broadcast %get3A_7 : vector<1x128xf32> to vector<2000x128xf32>
    %mul3A_38 = arith.mulf %mul3A_36, %mul3A_37 : vector<2000x128xf32>
    %add3A_39 = vector.broadcast %get3A_10 : vector<1x128xf32> to vector<2000x128xf32>
    %add3A_40 = arith.addf %mul3A_38, %add3A_39 : vector<2000x128xf32>
    %max3A = arith.constant 0.000000e+00 : f32
    %max3A_41 = vector.broadcast %max3A : f32 to vector<2000x128xf32>
    %max3A_42 = arith.maximumf %add3A_40, %max3A_41 : vector<2000x128xf32>
    %get3A_43 = arith.constant 0 : index
    %get3A_44 = arith.constant 0 : index
    %get3A_45 = vector.load %arg1[%get3A_43, %get3A_44] : memref<2000x128xf32, #tpu.memory_space<vmem>>, vector<2000x128xf32>
    %get3A_46 = arith.constant 0 : index
    %get3A_47 = arith.constant 0 : index
    %get3A_48 = vector.load %arg4[%get3A_46, %get3A_47] : memref<128x128xf32, #tpu.memory_space<vmem>>, vector<128x128xf32>
    %dot_general3A = arith.constant dense<0.000000e+00> : vector<2000x128xf32>
    %dot_general3A_49 = tpu.matmul %get3A_45, %get3A_48, %dot_general3A {dimension_numbers = #tpu.dot_dimension_numbers<[1], [0], [0], [1], [0, 0, 1, 1], [], []>, precision = #tpu.contract_precision<fp32>, transpose_lhs_hint = false} : vector<2000x128xf32>, vector<128x128xf32>, vector<2000x128xf32> -> vector<2000x128xf32>
    %get3A_50 = arith.constant 0 : index
    %get3A_51 = arith.constant 0 : index
    %get3A_52 = vector.load %arg5[%get3A_50, %get3A_51] : memref<128x128xf32, #tpu.memory_space<vmem>>, vector<128x128xf32>
    %dot_general3A_53 = arith.constant dense<0.000000e+00> : vector<2000x128xf32>
    %dot_general3A_54 = tpu.matmul %max3A_42, %get3A_52, %dot_general3A_53 {dimension_numbers = #tpu.dot_dimension_numbers<[1], [0], [0], [1], [0, 0, 1, 1], [], []>, precision = #tpu.contract_precision<fp32>, transpose_lhs_hint = false} : vector<2000x128xf32>, vector<128x128xf32>, vector<2000x128xf32> -> vector<2000x128xf32>
    %add3A_55 = arith.addf %dot_general3A_49, %dot_general3A_54 : vector<2000x128xf32>
    %get3A_56 = arith.constant 0 : index
    %get3A_57 = arith.constant 0 : index
    %get3A_58 = vector.load %arg6[%get3A_56, %get3A_57] : memref<1x128xf32, #tpu.memory_space<vmem>>, vector<1x128xf32>
    %get3A_59 = arith.constant 0 : index
    %get3A_60 = arith.constant 0 : index
    %get3A_61 = vector.load %arg7[%get3A_59, %get3A_60] : memref<1x128xf32, #tpu.memory_space<vmem>>, vector<1x128xf32>
    %reduce_sum3A_62 = arith.constant dense<0.000000e+00> : vector<2000xf32>
    %reduce_sum3A_63 = vector.multi_reduction <add>, %add3A_55, %reduce_sum3A_62 [1] : vector<2000x128xf32> to vector<2000xf32>
    %broadcast_in_dim3A_64 = vector.shape_cast %reduce_sum3A_63 : vector<2000xf32> to vector<2000x1xf32>
    %div3A_65 = arith.constant 1.280000e+02 : f32
    %div3A_66 = vector.broadcast %div3A_65 : f32 to vector<2000x1xf32>
    %div3A_67 = arith.divf %broadcast_in_dim3A_64, %div3A_66 : vector<2000x1xf32>
    %jit3A_68 = arith.constant 0 : i32
    %reduce_sum3A_69 = arith.constant dense<0.000000e+00> : vector<2000xf32>
    %reduce_sum3A_70 = vector.multi_reduction <add>, %add3A_55, %reduce_sum3A_69 [1] : vector<2000x128xf32> to vector<2000xf32>
    %broadcast_in_dim3A_71 = vector.shape_cast %reduce_sum3A_70 : vector<2000xf32> to vector<2000x1xf32>
    %div3A_72 = arith.constant 1.280000e+02 : f32
    %div3A_73 = vector.broadcast %div3A_72 : f32 to vector<2000x1xf32>
    %div3A_74 = arith.divf %broadcast_in_dim3A_71, %div3A_73 : vector<2000x1xf32>
    %sub3A_75 = vector.broadcast %div3A_74 : vector<2000x1xf32> to vector<2000x128xf32>
    %sub3A_76 = arith.subf %add3A_55, %sub3A_75 : vector<2000x128xf32>
    %square3A_77 = arith.mulf %sub3A_76, %sub3A_76 : vector<2000x128xf32>
    %convert_element_type3A_78 = arith.sitofp %jit3A_68 : i32 to f32
    %sub3A_79 = arith.constant 1.280000e+02 : f32
    %sub3A_80 = arith.subf %sub3A_79, %convert_element_type3A_78 : f32
    %reduce_sum3A_81 = arith.constant dense<0.000000e+00> : vector<2000xf32>
    %reduce_sum3A_82 = vector.multi_reduction <add>, %square3A_77, %reduce_sum3A_81 [1] : vector<2000x128xf32> to vector<2000xf32>
    %broadcast_in_dim3A_83 = vector.shape_cast %reduce_sum3A_82 : vector<2000xf32> to vector<2000x1xf32>
    %div3A_84 = vector.broadcast %sub3A_80 : f32 to vector<2000x1xf32>
    %div3A_85 = arith.divf %broadcast_in_dim3A_83, %div3A_84 : vector<2000x1xf32>
    %gt3A_86 = arith.constant 0.000000e+00 : f32
    %gt3A_87 = arith.cmpf ogt, %sub3A_80, %gt3A_86 : f32
    %jit3A_88 = arith.constant 0x7FC00000 : f32
    %broadcast_in_dim3A_89 = vector.broadcast %jit3A_88 : f32 to vector<2000x1xf32>
    %select_n3A_90 = arith.select %gt3A_87, %div3A_85, %broadcast_in_dim3A_89 : vector<2000x1xf32>
    %sub3A_91 = vector.broadcast %div3A_67 : vector<2000x1xf32> to vector<2000x128xf32>
    %sub3A_92 = arith.subf %add3A_55, %sub3A_91 : vector<2000x128xf32>
    %add3A_93 = arith.constant 9.99999974E-6 : f32
    %add3A_94 = vector.broadcast %add3A_93 : f32 to vector<2000x1xf32>
    %add3A_95 = arith.addf %select_n3A_90, %add3A_94 : vector<2000x1xf32>
    %rsqrt3A_96 = math.rsqrt %add3A_95 : vector<2000x1xf32>
    %mul3A_97 = vector.broadcast %rsqrt3A_96 : vector<2000x1xf32> to vector<2000x128xf32>
    %mul3A_98 = arith.mulf %sub3A_92, %mul3A_97 : vector<2000x128xf32>
    %mul3A_99 = vector.broadcast %get3A_58 : vector<1x128xf32> to vector<2000x128xf32>
    %mul3A_100 = arith.mulf %mul3A_98, %mul3A_99 : vector<2000x128xf32>
    %add3A_101 = vector.broadcast %get3A_61 : vector<1x128xf32> to vector<2000x128xf32>
    %add3A_102 = arith.addf %mul3A_100, %add3A_101 : vector<2000x128xf32>
    %max3A_103 = arith.constant 0.000000e+00 : f32
    %max3A_104 = vector.broadcast %max3A_103 : f32 to vector<2000x128xf32>
    %max3A_105 = arith.maximumf %add3A_102, %max3A_104 : vector<2000x128xf32>
    %swap3A = arith.constant 0 : index
    %swap3A_106 = arith.constant 0 : index
    %swap3A_107 = vector.load %arg10[%swap3A, %swap3A_106] : memref<2000x128xf32, #tpu.memory_space<vmem>>, vector<2000x128xf32>
    tpu.vector_store %arg10[%swap3A, %swap3A_106], %max3A_105 {strides = array<i32>} : memref<2000x128xf32, #tpu.memory_space<vmem>>, vector<2000x128xf32>,
    return
  }
  func.func @transform_0(%arg0: i32) -> (i32, i32) {
    %c0_i32 = arith.constant 0 : i32
    %c0_i32_0 = arith.constant 0 : i32
    return %arg0, %c0_i32 : i32, i32
  }
  func.func @transform_1(%arg0: i32) -> (i32, i32) {
    %c0_i32 = arith.constant 0 : i32
    %c0_i32_0 = arith.constant 0 : i32
    return %arg0, %c0_i32 : i32, i32
  }
  func.func @transform_2(%arg0: i32) -> (i32, i32) {
    %c0_i32 = arith.constant 0 : i32
    %c0_i32_0 = arith.constant 0 : i32
    return %arg0, %c0_i32 : i32, i32
  }
  func.func @transform_3(%arg0: i32) -> (i32, i32) {
    %c0_i32 = arith.constant 0 : i32
    %c0_i32_0 = arith.constant 0 : i32
    %c0_i32_1 = arith.constant 0 : i32
    return %c0_i32, %c0_i32_0 : i32, i32
  }
  func.func @transform_4(%arg0: i32) -> (i32, i32) {
    %c0_i32 = arith.constant 0 : i32
    %c0_i32_0 = arith.constant 0 : i32
    %c0_i32_1 = arith.constant 0 : i32
    return %c0_i32, %c0_i32_0 : i32, i32
  }
  func.func @transform_5(%arg0: i32) -> (i32, i32) {
    %c0_i32 = arith.constant 0 : i32
    %c0_i32_0 = arith.constant 0 : i32
    %c0_i32_1 = arith.constant 0 : i32
    return %c0_i32, %c0_i32_0 : i32, i32
  }
  func.func @transform_6(%arg0: i32) -> (i32, i32) {
    %c0_i32 = arith.constant 0 : i32
    %c0_i32_0 = arith.constant 0 : i32
    %c0_i32_1 = arith.constant 0 : i32
    return %c0_i32, %c0_i32_0 : i32, i32
  }
  func.func @transform_7(%arg0: i32) -> (i32, i32) {
    %c0_i32 = arith.constant 0 : i32
    %c0_i32_0 = arith.constant 0 : i32
    %c0_i32_1 = arith.constant 0 : i32
    return %c0_i32, %c0_i32_0 : i32, i32
  }
  func.func @transform_8(%arg0: i32) -> (i32, i32) {
    %c0_i32 = arith.constant 0 : i32
    %c0_i32_0 = arith.constant 0 : i32
    %c0_i32_1 = arith.constant 0 : i32
    return %c0_i32, %c0_i32_0 : i32, i32
  }
  func.func @transform_9(%arg0: i32) -> (i32, i32) {
    %c0_i32 = arith.constant 0 : i32
    %c0_i32_0 = arith.constant 0 : i32
    return %arg0, %c0_i32 : i32, i32
  }
}

</mosaic_0001>

<sc_bundles>
// kernel: kernel.6.cloned.1.call-start
scs
__scs_entry_jumppad:
0x0: {  	(pc) =	sbr.rel $0x88, $3  }
0x1: {  	(tag) =	ssettag $0x0;
	lr =	simm.s32 $0x1  }
0x2: {  	[smem:$0x3F92] =	sst lr;
	_ =	strace $0xD0000000  }
0x3: {  	_ = 	snop  }
0x4: {  	_ = 	snop  }
0x5: {  	_ = 	snop  }
0x6: {  	_ = 	snop  }
0x7: {  	_ = 	snop  }
__scs_overlays_trampoline_lowered:
0x8: {  	[smem:$0x3FA1] =	sst s0  }
0x9: {  	[smem:$0x3FA2] =	sst s1  }
0xa: {  	[smem:$0x3FA3] =	sst s2  }
0xb: {  	[smem:$0x3FA4] =	sst s3  }
0xc: {  	[smem:$0x3FA5] =	sst s4  }
0xd: {  	[smem:$0x3FA6] =	sst s5  }
0xe: {  	[smem:$0x3FA7] =	sst s6  }
0xf: {  	[smem:$0x3FA8] =	sst s7  }
0x10: {  	[smem:$0x3FA9] =	sst s8  }
0x11: {  	[smem:$0x3FAA] =	sst s9;
	s0 =	simm.s32 @!p0 $0x0  }
0x12: {  	s1 =	sld [smem:$0x3F90];
	s0 =	simm.s32 @p0 $0x1  }
0x13: {  	[smem:$0x3FAB] =	sst s0;
	s0 =	simm.s32 @!p1 $0x0  }
0x14: {  	s2 =	sld [smem:$0x3F8F];
	s0 =	simm.s32 @p1 $0x1  }
0x15: {  	[smem:$0x3FAC] =	sst s0;
	s0 =	simm.s32 @!p2 $0x0  }
0x16: {  	s3 =	sld [smem:$0x3FDB];
	s0 =	simm.s32 @p2 $0x1  }
0x17: {  	s4 =	simm.s32 $0x1BF5;
	[smem:$0x3FAE] =	sst s0  }
0x18: {  	s0 =	sld [smem:$0x3F91];
	_ =	swait.ge [sflag:s4], $0x0  }
0x19: {  	s7 =	sld [smem:$0x3F92]  }
0x1a: {  	s8 =	sadd.s32 $0xFFFFE003, lr  }
0x1b: {  	s9 =	sadd.s32 $0xFFFFFEF7, lr;
	s5 =	simm.s32 $0xFFFFFFFF;
	p2 =	slt.u32 s8, $0xFFFFF086  }
0x1c: {  	p1 =	slt.u32 s9, $0xF7A;
	s5 =	simm.s32 @!p2 $0x0  }
0x1d: {  	s5 =	simm.s32 @p1 $0x1;
	p0 =	seq.s32 s7, s2  }
0x1e: {  	s7 =	smul.u32 @!p0 $0xF7A, s2;
	p2 =	seq.s32 @!p0 s5, $0x0  }
0x1f: {  	s9 =	smul.u32 $0xF7A, s1;
	s8 =	simm.s32 @!p0 $0x1BF5;
	p2 =	por !p2, p0  }
0x20: {  	[sflag:s8] =	ssyncset.s32 @!p0 $0xFFFFF086;
	s6 =	sadd.s32 @!p0 s3, s7;
	s7 =	simm.s32 @!p0 $0x108  }
0x21: {  	s3 =	sadd.s32 s3, s9;
	s6 =	sadd.s32 @!p0 $0x88, s6;
	s7 =	simm.s32 @p2 $0x1082  }
0x22: {  	[simem:s7], [sflag:s8] =	dma.local @!p0 [hbm:s6], $0xF7A  }
0x23: {  	s9 =	sor.u32 $0xD0000000, s2;
	s6 =	simm.s32 $0x108;
	_ =	swait.ge @!p0 [sflag:s8], $0x0  }
0x24: {  	s3 =	sadd.s32 $0x88, s3;
	s6 =	simm.s32 @!p1 $0x1082;
	[sflag:s4] =	ssyncset.s32 $0xFFFFF086  }
0x25: {  	[simem:s6], [sflag:s4] =	dma.local [hbm:s3], $0xF7A  }
0x26: {  	[smem:$0x3F92] =	sst s1;
	(tag) =	ssettag s2;
	_ =	strace s9  }
0x27: {  	s1 =	sld [smem:$0x3FA2]  }
0x28: {  	s2 =	sld [smem:$0x3FA3]  }
0x29: {  	s4 =	sld [smem:$0x3FA5]  }
0x2a: {  	p0 =	seq.s32 s5, $0x0;
	s5 =	sld [smem:$0x3FA6]  }
0x2b: {  	s6 =	sld [smem:$0x3FA7]  }
0x2c: {  	s7 =	sld [smem:$0x3FA8]  }
0x2d: {  	s3 =	simm.s32 $0x108;
	s8 =	sld [smem:$0x3FA9]  }
0x2e: {  	s3 =	simm.s32 @!p0 $0x1082;
	s9 =	sld [smem:$0x3FAA]  }
0x2f: {  	lr =	sadd.s32 s0, s3;
	s0 =	sld [smem:$0x3FA1]  }
0x30: {  	s3 =	sld [smem:$0x3FA4]  }
0x31: {  	[smem:$0x3FAD] =	sst s10  }
0x32: {  	s10 =	sld [smem:$0x3FAB];
	_ =	sdelay $0x3  }
0x33: {  	p0 =	seq.s32 s10, $0x1;
	s10 =	sld [smem:$0x3FAD];
	_ =	sdelay $0x3  }
0x34: {  	[smem:$0x3FAD] =	sst s10  }
0x35: {  	s10 =	sld [smem:$0x3FAC];
	_ =	sdelay $0x3  }
0x36: {  	p1 =	seq.s32 s10, $0x1;
	s10 =	sld [smem:$0x3FAD];
	_ =	sdelay $0x3  }
0x37: {  	[smem:$0x3FAD] =	sst s10  }
0x38: {  	s10 =	sld [smem:$0x3FAE]  }
0x39: {  	_ = 	snop;
	(pc) =	sbr.ind lr, $3  }
0x3a: {  	_ = 	snop  }
0x3b: {  	_ = 	snop  }
0x3c: {  	p2 =	seq.s32 s10, $0x1;
	s10 =	sld [smem:$0x3FAD]  }
0x3d: {  	_ =	shalt  }
0x3e: {  	_ =	shalt  }
0x3f: {  	_ =	shalt  }
0x40: {  	_ =	shalt  }
0x41: {  	_ =	shalt  }
0x42: {  	_ =	shalt  }
0x43: {  	_ =	shalt  }
0x44: {  	_ =	shalt  }
0x45: {  	_ =	shalt  }
0x46: {  	_ =	shalt  }
0x47: {  	_ =	shalt  }
0x48: {  	_ =	shalt  }
0x49: {  	_ =	shalt  }
0x4a: {  	_ =	shalt  }
0x4b: {  	_ =	shalt  }
0x4c: {  	_ =	shalt  }
0x4d: {  	_ =	shalt  }
0x4e: {  	_ =	shalt  }
0x4f: {  	_ =	shalt  }
0x50: {  	_ =	shalt  }
0x51: {  	_ =	shalt  }
0x52: {  	_ =	shalt  }
0x53: {  	_ =	shalt  }
0x54: {  	_ =	shalt  }
0x55: {  	_ =	shalt  }
0x56: {  	_ =	shalt  }
0x57: {  	_ =	shalt  }
0x58: {  	_ =	shalt  }
0x59: {  	_ =	shalt  }
0x5a: {  	_ =	shalt  }
0x5b: {  	_ =	shalt  }
0x5c: {  	_ =	shalt  }
0x5d: {  	_ =	shalt  }
0x5e: {  	_ =	shalt  }
0x5f: {  	_ =	shalt  }
0x60: {  	_ =	shalt  }
0x61: {  	_ =	shalt  }
0x62: {  	_ =	shalt  }
0x63: {  	_ =	shalt  }
0x64: {  	_ =	shalt  }
0x65: {  	_ =	shalt  }
0x66: {  	_ =	shalt  }
0x67: {  	_ =	shalt  }
0x68: {  	_ =	shalt  }
0x69: {  	_ =	shalt  }
0x6a: {  	_ =	shalt  }
0x6b: {  	_ =	shalt  }
0x6c: {  	_ =	shalt  }
0x6d: {  	_ =	shalt  }
0x6e: {  	_ =	shalt  }
0x6f: {  	_ =	shalt  }
0x70: {  	_ =	shalt  }
0x71: {  	_ =	shalt  }
0x72: {  	_ =	shalt  }
0x73: {  	_ =	shalt  }
0x74: {  	_ =	shalt  }
0x75: {  	_ =	shalt  }
0x76: {  	_ =	shalt  }
0x77: {  	_ =	shalt  }
0x78: {  	_ =	shalt  }
0x79: {  	_ =	shalt  }
0x7a: {  	_ =	shalt  }
0x7b: {  	_ =	shalt  }
0x7c: {  	_ =	shalt  }
0x7d: {  	_ =	shalt  }
0x7e: {  	_ =	shalt  }
0x7f: {  	_ =	shalt  }
0x80: {  	_ =	shalt  }
0x81: {  	_ =	shalt  }
0x82: {  	_ =	shalt  }
0x83: {  	_ =	shalt  }
0x84: {  	_ =	shalt  }
0x85: {  	_ =	shalt  }
0x86: {  	_ =	shalt  }
0x87: {  	_ =	shalt  }
.Lfunc_end0:
.L_simem_size_0:
called_computation_lowered:
.L_overlay_start_0:
0x88: {  	s2 =	sld [smem:$0x3FD9]  }
0x89: {  	s3 =	sld [smem:$0x3FFE];
	_ =	sdelay $0x1  }
0x8a: {  	s1 =	srdreg.scid  }
0x8b: {  	s0 =	sand.u32 $0x1, s1  }
0x8c: {  	s17 =	sshll.u32 s0, $0xA;
	s2 =	sadd.s32 s3, s2  }
0x8d: {  	s2 =	sadd.s32 s2, s17  }
0x8e: {  	[smem:$0x3FB9] =	sst s2  }
0x8f: {  	_ = 	snop  }
0x90: {  	s2 =	sld [smem:$0x3FC6]  }
0x91: {  	s18 =	sld [smem:$0x3FD0];
	(tm) =	ssettm $0x1  }
0x92: {  	s4 =	sld [smem:$0x3FFB];
	_ =	sdelay $0x3  }
0x93: {  	_ =	strace s4  }
0x94: {  	s4 =	sld [smem:$0x3FFC];
	_ =	sdelay $0x3  }
0x95: {  	_ =	strace s4  }
0x96: {  	s4 =	sld [smem:$0x3FFD];
	_ =	sdelay $0x3  }
0x97: {  	_ =	strace s4  }
0x98: {  	_ =	strace $0x8FFFFFFF  }
0x99: {  	s19 =	sld [smem:$0x3FDB];
	_ =	sdelay $0x1  }
0x9a: {  	s5 =	simm.s32 $_scs_section_size  }
0x9b: {  	s6 =	simm.s32 $_size__tile_overlayer_lowered;
	s7 =	simm.s32 $_tile_overlayer_lowered  }
0x9c: {  	s22 =	simm.s32 $0x1BFF;
	s21 =	sshll.u32 s7, $0x1;
	s4 =	sadd.s32 s5, s19  }
0x9d: {  	s8 =	simm.s32 $0x0;
	s20 =	sshll.u32 s6, $0x1;
	s6 =	sadd.s32 s21, s4  }
0x9e: {  	[timem:s8], [sflag:s22] =	dma.local [hbm:s6], s20  }
0x9f: {  	_ =	swait.ge [sflag:s22], s20  }
0xa0: {  	s5 =	ssub.s32 $0x0, s20;
	[sflag:s22] =	ssyncset.done $0x0  }
0xa1: {  	[sflag:s22] =	ssyncadd.s32 s5;
	_ =	sdelay $0x1  }
0xa2: {  	s23 =	simm.s32 $0x1B8B  }
0xa3: {  	_ =	swait.ge [sflag:s23], $0x1  }
0xa4: {  	[sflag:s23] =	ssyncset.done $0x0  }
0xa5: {  	s25 =	simm.s32 $0x1B8E;
	s24 =	sld [smem:$0x3FFE];
	[sflag:s23] =	ssyncadd.s32 $0xFFFFFFFF  }
0xa6: {  	s26 =	simm.s32 $execute0_lowered;
	[smem:$0x3FD2] =	sst s25  }
0xa7: {  	s6 =	sshll.u32 s26, $0x1;
	_ =	strace $0x80000046;
	[dreg:$0x1] =	wrdreg $0xFFFFFFFF  }
0xa8: {  	s28 =	simm.s32 $_size_execute0_lowered;
	s4 =	sadd.s32 s4, s6;
	[dreg:$0x0] =	wrdreg $0x0  }
0xa9: {  	s6 =	sshll.u32 s28, $0x1;
	[dreg:$0x2] =	wrdreg s4  }
0xaa: {  	[dreg:$0x3] =	wrdreg s6  }
0xab: {  	[dreg:$0x4] =	wrdreg $0xC0  }
0xac: {  	_ =	task [dreg:s8], $0x5FFFF  }
0xad: {  	[dreg:$0x1] =	wrdreg $0xFFFFFFFF  }
0xae: {  	[dreg:$0x0] =	wrdreg $0x60  }
0xaf: {  	[dreg:$0x2] =	wrdreg s24  }
0xb0: {  	[dreg:$0x3] =	wrdreg s2  }
0xb1: {  	[dreg:$0x4] =	wrdreg s18  }
0xb2: {  	[dreg:$0x5] =	wrdreg $0x0  }
0xb3: {  	[dreg:$0x6] =	wrdreg $0x9  }
0xb4: {  	_ =	task.clear_ibuf [dreg:s8], $0x7FFFF;
	_ =	strace $0x90000046  }
0xb5: {  	s29 =	simm.s32 $0x9;
	_ =	strace $0x80000048  }
0xb6: {  	_ =	swait.ge [sflag:s29], $0x1  }
0xb7: {  	[sflag:s29] =	ssyncadd.s32 $0xFFFFFFFF  }
0xb8: {  	_ =	strace $0x90000048  }
0xb9: {  	_ =	sfence  }
0xba: {  	s30 =	sld [smem:$0x0];
	_ =	sdelay $0x2  }
0xbb: {  	s31 =	sshll.u32 s1, $0xD;
	s1 =	sshrl.u32 s1, $0x2  }
0xbc: {  	s3 =	sand.u32 $0x4000, s31;
	s1 =	sadd.s32 s1, s30  }
0xbd: {  	s0 =	sor.u32 s3, s0;
	s1 =	sshll.u32 s1, $0x11  }
0xbe: {  	s0 =	sor.u32 s1, s0  }
0xbf: {  	s0 =	sadd.s32 $0x8F2B, s0  }
0xc0: {  	[sflag:s0] =	ssyncadd.remote.s32 $0x1  }
0xc1: {  	_ =	sfence.sel $0xFFFF  }
0xc2: {  	[dreg:$0x0] =	wrdreg $0xFFFFFFFF;
	(pc) =	sbr.abs _section_cstart, $3  }
0xc3: {  	[dreg:$0x1] =	wrdreg $0xFFFFFFFF  }
0xc4: {  	_ =	task.clear_ibuf [dreg:s8], $0x2FFFF;
	_ =	strace $0x9FFFFFFF  }
0xc5: {  	(tm) =	ssettm $0x7FFFFFFF  }
tec
execute0_lowered:
.L_overlay_start_1:
0x0: {  	(tag) =	ssettag $0x1  }
0x1: {  	s0 =	rddreg [dreg:$0x0]  }
0x2: {  	s1 =	rddreg [dreg:$0x1]  }
0x3: {  	s5 =	rddreg [dreg:$0x2]  }
0x4: {  	s2 =	rddreg [dreg:$0x3]  }
0x5: {  	s4 =	srdreg.scid;
	s12 =	stileid.u32  }
0x6: {  	s3 =	simm.s32 $0x0;
	s31 =	simm.s32 $0x1;
	s28 =	simm.s32 $0xA  }
0x7: {  	s29 =	simm.s32 $0x6;
	s30 =	simm.s32 $0x0;
	s6 =	sand.u32 $0x1, s4  }
0x8: {  	s15 =	sshll.u32 s12, $0x1;
	[smem:$0x7FF] =	sst s3;
	s13 =	smul.u32 $0x4E000, s12  }
0x9: {  	s9 =	sadd.s32 $0x2200, s0;
	s23 =	smul.u32 $0x4E20, s12;
	s4 =	sor.u32 s6, s15  }
0xa: {  	p0 =	sne.s32 s12, $0xF;
	_ =	strace $0x80000047;
	s8 =	smul.u32 $0x2710, s4  }
0xb: {  	s7 =	ssub.s32 $0x2, s6;
	s15 =	sadd.s32 $0x138000, s2;
	s4 =	sadd.s32 $0xC000, s0  }
0xc: {  	s10 =	sshrl.u32 s7, $0x1;
	s0 =	sadd.s32 $0x2C000, s0;
	s8 =	sshrl.u32 s8, $0x3  }
0xd: {  	s13 =	sshrl.u32 s13, $0x2;
	s7 =	ssub.s32 s7, s10;
	s16 =	sadd.s32 s9, s8  }
0xe: {  	s17 =	sadd.s32 s1, s8;
	s18 =	sadd.s32 $0xA, s8;
	[dreg:$0x5] =	wrdreg s16  }
0xf: {  	s13 =	sadd.s32 s13, s2;
	[dreg:$0x6] =	wrdreg s17;
	s11 =	sadd.s32 s9, s18  }
0x10: {  	s19 =	sadd.s32 $0x14, s8;
	s10 =	sadd.s32 s1, s18;
	[dreg:$0x7] =	wrdreg s11  }
0x11: {  	s8 =	sadd.s32 $0x1E, s8;
	s20 =	sadd.s32 s9, s19;
	[dreg:$0x8] =	wrdreg s10  }
0x12: {  	s17 =	smul.u32 $0x13800, s12;
	s21 =	sadd.s32 s1, s19;
	[dreg:$0x9] =	wrdreg s20  }
0x13: {  	s18 =	smul.u32 $0x138800, s6;
	s22 =	sadd.s32 s9, s8;
	[dreg:$0xa] =	wrdreg s21  }
0x14: {  	s8 =	sadd.s32 s1, s8;
	s6 =	smul.u32 $0x2710, s6;
	[dreg:$0xb] =	wrdreg s22  }
0x15: {  	s16 =	sadd.s32 $0x27000, s5;
	s19 =	smax.u32 s7, $0x1;
	[dreg:$0xc] =	wrdreg s8  }
0x16: {  	s22 =	simm.s32 $0x13880;
	s14 =	sshrl.u32 s17, $0x3;
	s24 =	sadd.s32 s17, s18  }
.Ltmp0:
0x17: {  	s6 =	sadd.s32 s6, s23;
	s25 =	sshrl.u32 s18, $0x3;
	(pc) =	sbr.rel .LBB2_1-.Ltmp0, $4  }
0x18: {  	s14 =	sadd.s32 s5, s14;
	s5 =	sshrl.u32 s24, $0x3;
	s6 =	sadd.s32 $0x140, s6  }
0x19: {  	s17 =	sadd.s32 s0, s5;
	s0 =	sadd.s32 s0, s25;
	s26 =	sshrl.u32 s6, $0x3  }
0x1a: {  	s24 =	simm.s32 $0x13900;
	s18 =	sadd.s32 $0x27000, s0;
	s7 =	sadd.s32 s26, s1  }
0x1b: {  	s6 =	sadd.s32 s26, s9;
	s26 =	simm.s32 $0x13980;
	s0 =	simm.s32 $0x50  }
.LBB2_5:
0x1c: {  	_ =	swait.ge [sflag:s29], $0x2800  }
0x1d: {  	[sflag:s29] =	ssyncset.done $0x0  }
0x1e: {  	[sflag:s29] =	ssyncadd.s32 $0xFFFFD800  }
0x1f: {  	[bflag:$0x0] =	sbarrier.arrive $0xFFFF  }
0x20: {  	[hbm:s17], [sflag:s1] =	dma.local [spmem:s23], $0x2700  }
0x21: {  	_ =	swait.ge [sflag:s28], $0x2700  }
0x22: {  	s30 =	sadd.s32 $0x1, s30;
	[sflag:s28] =	ssyncset.done $0x0  }
0x23: {  	p1 =	sne.s32 s30, s19;
	[sflag:s28] =	ssyncadd.s32 $0xFFFFD900  }
0x24: {  	[hbm:s18], [sflag:s1] =	dma.local @!p0 [spmem:s25], $0x100  }
.Ltmp1:
0x25: {  	_ = 	snop;
	(pc) =	sbr.rel @!p1 .LBB2_6-.Ltmp1, $4  }
0x26: {  	s1 =	simm.s32 @!p0 $0xA  }
0x27: {  	_ =	swait.ge @!p0 [sflag:s1], $0x100  }
0x28: {  	[sflag:s1] =	ssyncset.done @!p0 $0x0  }
0x29: {  	[sflag:s1] =	ssyncadd.s32 @!p0 $0xFFFFFF00  }
.LBB2_1:
0x2a: {  	s1 =	rddreg [dreg:$0x5]  }
0x2b: {  	[tilespmem:s22], [sflag:$0x1] =	stream.linear.gather [hbm4b:s1+s3], $0x50, $0x38;
	[tilespmem:$0x1E080] =	vst v63  }
0x2c: {  	s12 =	rddreg [dreg:$0x6];
	s5 =	simm.s32 $0x13C80  }
0x2d: {  	[tilespmem:s5], [sflag:$0x1] =	stream.linear.gather [hbm4b:s12+s3], $0x50, $0x38;
	[tilespmem:$0x1E080] =	vst v63  }
0x2e: {  	s20 =	rddreg [dreg:$0x7]  }
0x2f: {  	[tilespmem:s24], [sflag:$0x1] =	stream.linear.gather [hbm4b:s20+s3], $0x50, $0x38;
	[tilespmem:$0x1E080] =	vst v63  }
0x30: {  	s21 =	rddreg [dreg:$0x8];
	s23 =	simm.s32 $0x13D00  }
0x31: {  	[tilespmem:s23], [sflag:$0x1] =	stream.linear.gather [hbm4b:s21+s3], $0x50, $0x38;
	[tilespmem:$0x1E080] =	vst v63  }
0x32: {  	s25 =	rddreg [dreg:$0x9]  }
0x33: {  	[tilespmem:s26], [sflag:$0x1] =	stream.linear.gather [hbm4b:s25+s3], $0x50, $0x38;
	[tilespmem:$0x1E080] =	vst v63  }
0x34: {  	s8 =	simm.s32 $0x13D80;
	s5 =	rddreg [dreg:$0xa]  }
0x35: {  	[tilespmem:s8], [sflag:$0x1] =	stream.linear.gather [hbm4b:s5+s3], $0x50, $0x38;
	[tilespmem:$0x1E080] =	vst v63  }
0x36: {  	s9 =	rddreg [dreg:$0xb];
	s10 =	simm.s32 $0x13A00  }
0x37: {  	[tilespmem:s10], [sflag:$0x1] =	stream.linear.gather [hbm4b:s9+s3], $0x50, $0x38;
	[tilespmem:$0x1E080] =	vst v63  }
0x38: {  	s11 =	rddreg [dreg:$0xc];
	s12 =	simm.s32 $0x13E00  }
0x39: {  	[tilespmem:s12], [sflag:$0x1] =	stream.linear.gather [hbm4b:s11+s3], $0x50, $0x38;
	[tilespmem:$0x1E080] =	vst v63  }
0x3a: {  	_ =	swait.ge [sflag:s31], $0x50  }
0x3b: {  	[sflag:s31] =	ssyncset.done $0x0  }
0x3c: {  	[sflag:s31] =	ssyncadd.s32 $0xFFFFFFB0  }
0x3d: {  	_ =	swait.ge [sflag:s31], $0x50  }
0x3e: {  	[sflag:s31] =	ssyncset.done $0x0  }
0x3f: {  	s20 =	simm.s32 $0x14080;
	[sflag:s31] =	ssyncadd.s32 $0xFFFFFFB0  }
0x40: {  	[tilespmem:s20], [sflag:$0x2] =	stream.indirect.gather [hbm4b:s4+s0], $0x80, s22, s0, $0xb8;
	[tilespmem:$0x1E080] =	vst v63  }
0x41: {  	_ =	swait.ge [sflag:s31], $0x50  }
0x42: {  	[sflag:s31] =	ssyncset.done $0x0  }
0x43: {  	[sflag:s31] =	ssyncadd.s32 $0xFFFFFFB0  }
0x44: {  	_ =	swait.ge [sflag:s31], $0x50  }
0x45: {  	[sflag:s31] =	ssyncset.done $0x0  }
0x46: {  	s21 =	simm.s32 $0x16880;
	[sflag:s31] =	ssyncadd.s32 $0xFFFFFFB0  }
0x47: {  	[tilespmem:s21], [sflag:$0x3] =	stream.indirect.gather [hbm4b:s4+s0], $0x80, s24, s0, $0xb8;
	[tilespmem:$0x1E080] =	vst v63  }
0x48: {  	_ =	swait.ge [sflag:s31], $0x50  }
0x49: {  	[sflag:s31] =	ssyncset.done $0x0  }
0x4a: {  	[sflag:s31] =	ssyncadd.s32 $0xFFFFFFB0  }
0x4b: {  	_ =	swait.ge [sflag:s31], $0x50  }
0x4c: {  	s25 =	stileid.u32;
	[sflag:s31] =	ssyncset.done $0x0  }
0x4d: {  	s23 =	simm.s32 $0x19080;
	s1 =	sshll.u32 s25, $0x6;
	[sflag:s31] =	ssyncadd.s32 $0xFFFFFFB0  }
0x4e: {  	[tilespmem:s23], [sflag:$0x4] =	stream.indirect.gather [hbm4b:s4+s0], $0x80, s26, s0, $0xb8;
	[tilespmem:$0x1E080] =	vst v63  }
0x4f: {  	s1 =	sor.u32 $0x1C0A, s1;
	s23 =	sshrl.u32 s13, $0x3  }
0x50: {  	[spmem:s23], [sflag:s1] =	dma.local [hbm:s14], $0x2700  }
0x51: {  	_ =	swait.ge [sflag:s28], $0x2700  }
0x52: {  	[sflag:s28] =	ssyncset.done $0x0  }
0x53: {  	s25 =	sshrl.u32 @!p0 s15, $0x3;
	s5 =	simm.s32 @!p0 $0xA;
	[sflag:s28] =	ssyncadd.s32 $0xFFFFD900  }
0x54: {  	[spmem:s25], [sflag:s1] =	dma.local @!p0 [hbm:s16], $0x100  }
.Ltmp2:
0x55: {  	_ =	swait.ge @!p0 [sflag:s5], $0x100;
	(pc) =	sbr.rel .LBB2_2-.Ltmp2, $4  }
0x56: {  	[sflag:s5] =	ssyncset.done @!p0 $0x0  }
0x57: {  	[sflag:s5] =	ssyncadd.s32 @!p0 $0xFFFFFF00  }
0x58: {  	[bflag:$0x0] =	sbarrier.arrive $0xFFFF  }
0x59: {  	s20 =	smov.u32 s7;
	s21 =	smov.u32 s6;
	s5 =	simm.s32 $0x4  }
.LBB2_4:
0x5a: {  	s9 =	smul.u32 $0xAB, s8;
	_ =	sdelay $0x1  }
0x5b: {  	s9 =	sshrl.u32 s9, $0xA  }
0x5c: {  	s10 =	sand.u32 $0x3, s8;
	s9 =	sand.u32 $0x3F, s9  }
0x5d: {  	s5 =	sadd.s32 $0x1, s5;
	s20 =	sadd.s32 $0xA, s20;
	s9 =	smul.u32 $0x6, s9  }
0x5e: {  	s21 =	sadd.s32 $0xA, s21;
	s11 =	smul.u32 $0xA000, s10;
	p1 =	sne.s32 s5, $0x81  }
.Ltmp3:
0x5f: {  	s12 =	sadd.s32 $0x2, s10;
	s9 =	ssub.s32 s8, s9;
	(pc) =	sbr.rel @!p1 .LBB2_5-.Ltmp3, $4  }
0x60: {  	_ =	swait.ge [sflag:s12], $0x2800;
	s11 =	sshrl.u32 s11, $0x2;
	s8 =	sand.u32 $0xFF, s9  }
0x61: {  	[sflag:s12] =	ssyncset.done $0x0;
	s11 =	sadd.s32 $0x14080, s11;
	s8 =	sshll.u32 s8, $0x7  }
0x62: {  	[sflag:s12] =	ssyncadd.s32 $0xFFFFD800;
	s12 =	sadd.s32 $0x6, s10;
	s8 =	sadd.s32 $0x13C80, s8  }
0x63: {  	[spmem:s2] =	stream.indirect.scatter.add.f32 [tilespmem:s11], [sflag:s12], $0x80, s8, s0, $0xb8;
	[tilespmem:$0x1E080] =	vst v63  }
.LBB2_2:
0x64: {  	p1 =	seq.s32 s5, $0x4  }
0x65: {  	s8 =	sadd.s32 @!p1 $0xFFFFFFFF, s5  }
0x66: {  	s9 =	sand.u32 @!p1 $0x3, s8;
	s8 =	sadd.s32 $0xFFFFFFFC, s5  }
0x67: {  	p2 =	sgt.u32 @!p1 s8, $0x79  }
0x68: {  	p2 =	por p1, !p2  }
.Ltmp4:
0x69: {  	_ = 	snop;
	(pc) =	sbr.rel @!p2 .LBB2_4-.Ltmp4, $4  }
0x6a: {  	s10 =	sadd.s32 @!p1 $0x6, s9  }
0x6b: {  	_ =	swait.ge @!p1 [sflag:s10], $0x2800  }
0x6c: {  	[sflag:s10] =	ssyncset.done @!p1 $0x0  }
0x6d: {  	[sflag:s10] =	ssyncadd.s32 @!p1 $0xFFFFD800  }
0x6e: {  	s10 =	sadd.s32 $0xFFFFFFFF, s5  }
0x6f: {  	s11 =	smul.u32 $0xAB, s10;
	_ =	sdelay $0x1  }
0x70: {  	s11 =	sshrl.u32 s11, $0xA  }
0x71: {  	s11 =	sand.u32 $0x3F, s11  }
0x72: {  	s9 =	simm.s32 @p1 $0x3;
	_ =	swait.ge [sflag:s31], $0x50;
	s11 =	smul.u32 $0x6, s11  }
0x73: {  	p1 =	sgt.u32 s8, $0x78;
	[sflag:s31] =	ssyncset.done $0x0;
	s12 =	smul.u32 $0xA000, s9  }
0x74: {  	[sflag:s31] =	ssyncadd.s32 $0xFFFFFFB0;
	s10 =	ssub.s32 s10, s11;
	s11 =	smul.u32 @!p1 $0xAB, s5  }
0x75: {  	s9 =	sadd.s32 $0x2, s9;
	_ =	swait.ge [sflag:s31], $0x50;
	s12 =	sshrl.u32 s12, $0x2  }
0x76: {  	[sflag:s31] =	ssyncset.done $0x0;
	s10 =	sand.u32 $0xFF, s10;
	s11 =	sshrl.u32 @!p1 s11, $0xA  }
0x77: {  	s12 =	sadd.s32 $0x14080, s12;
	s10 =	sshll.u32 s10, $0x7;
	s11 =	sand.u32 @!p1 $0x3F, s11  }
0x78: {  	[sflag:s31] =	ssyncadd.s32 $0xFFFFFFB0;
	s10 =	sadd.s32 $0x13880, s10;
	s11 =	smul.u32 @!p1 $0x6, s11  }
0x79: {  	[tilespmem:s12], [sflag:s9] =	stream.indirect.gather [hbm4b:s4+s0], $0x80, s10, s0, $0xb8;
	[tilespmem:$0x1E080] =	vst v63  }
0x7a: {  	s9 =	ssub.s32 @!p1 s5, s11  }
0x7b: {  	s9 =	sand.u32 @!p1 $0xFF, s9  }
.Ltmp5:
0x7c: {  	s9 =	sshll.u32 @!p1 s9, $0x7;
	(pc) =	sbr.rel .LBB2_4-.Ltmp5, $4  }
0x7d: {  	s11 =	simm.s32 @!p1 $0x0;
	s10 =	sadd.s32 @!p1 $0x13880, s9  }
0x7e: {  	[tilespmem:s10], [sflag:$0x1] =	stream.linear.gather @!p1 [hbm4b:s21+s11], $0x50, $0x38;
	[tilespmem:$0x1E080] =	vst v63  }
0x7f: {  	s9 =	sadd.s32 @!p1 $0x13C80, s9  }
0x80: {  	[tilespmem:s9], [sflag:$0x1] =	stream.linear.gather @!p1 [hbm4b:s20+s11], $0x50, $0x38;
	[tilespmem:$0x1E080] =	vst v63  }
.LBB2_6:
0x81: {  	_ =	sfence.sel $0x180000  }
0x82: {  	[bflag:$0x0] =	sbarrier.arrive $0xFFFF  }
0x83: {  	_ =	strace $0x90000047  }
0x84: {  	s0 =	stileid.u32;
	[bflag:$0x2] =	sbarrier.arrive $0xFFFF  }
0x85: {  	p0 =	sne.s32 s0, $0x0;
	s0 =	rddreg [dreg:$0x4]  }
0x86: {  	s0 =	sadd.s32 @!p0 $0x100000, s0  }
0x87: {  	[sflag:s0] =	ssyncadd.tile.s32 @!p0 $0x1;
	_ =	shalt  }
.Lfunc_end2:
_tile_overlayer_lowered:
.L_overlay_start_2:
0x88: {  	(tag) =	ssettag $0x2  }
0x89: {  	s0 =	rddreg [dreg:$0x0];
	s2 =	stileid.u32  }
0x8a: {  	s1 =	rddreg [dreg:$0x1];
	p0 =	sne.s32 s2, $0x0  }
0x8b: {  	s3 =	rddreg [dreg:$0x2];
	[bflag:$0x3] =	sbarrier.arrive $0xFFFF;
	s2 =	simm.s32 @!p0 $0x1C0A  }
0x8c: {  	[timem:s3], [sflag:s2] =	dma.local @!p0 [hbm:s0], s1  }
0x8d: {  	s0 =	simm.s32 @!p0 $0xA  }
0x8e: {  	_ =	swait.ge @!p0 [sflag:s0], s1  }
0x8f: {  	s1 =	ssub.s32 @!p0 $0x0, s1;
	[sflag:s0] =	ssyncset.done @!p0 $0x0  }
0x90: {  	[sflag:s0] =	ssyncadd.s32 @!p0 s1  }
0x91: {  	[bflag:$0x3] =	sbarrier.arrive $0xFFFF  }
0x92: {  	_ =	shalt  }

</sc_bundles>
